<compile_context>
chip_gen: v7x
topology: tpu7x:2x2x1
jax: 0.10.2.dev20260603
libtpu: 0.0.44.dev20260713+nightly
codegen_flags: <defaults>
</compile_context>

<pallas_src>
import functools
import math

import jax
import jax.numpy as jnp
from jax.experimental import pallas as pl

_B, _N, _D, _M, _H = 8, 196, 512, 20, 8
_K = 51
_HD = _D // _H
_BN = _B * _N
_SEL_TILE = 256
_SEL_GRID = (_BN + _SEL_TILE - 1) // _SEL_TILE
_NT = 112
_NBITS = 24
_HIGH = jax.lax.Precision.HIGHEST


def _dot_t(a, b):
    return jax.lax.dot_general(a.astype(jnp.bfloat16), b.astype(jnp.bfloat16),
                               (((1,), (1,)), ((), ())),
                               preferred_element_type=jnp.float32)


def _attn_kernel(f_ref, wqkv_ref, bqkv_ref, wo_ref, bo_ref, w1_ref, b1_ref,
                 g_ref, lb_ref, hn_ref):
    x = f_ref[0]
    qkv = _dot_t(x, wqkv_ref[...]) + bqkv_ref[...]
    q = qkv[:, :_D] * (1.0 / math.sqrt(_HD))
    k = qkv[:, _D:2 * _D]
    v = qkv[:, 2 * _D:]
    s3 = jnp.stack([_dot_t(q[:, h * _HD:(h + 1) * _HD],
                           k[:, h * _HD:(h + 1) * _HD])
                    for h in range(_H)], axis=0)
    s3 = s3 - jnp.max(s3, axis=-1, keepdims=True)
    e3 = jnp.exp(s3)
    a3 = e3 / jnp.sum(e3, axis=-1, keepdims=True)
    o_parts = []
    for h in range(_H):
        o_parts.append(jax.lax.dot_general(
            a3[h].astype(jnp.bfloat16),
            v[:, h * _HD:(h + 1) * _HD].astype(jnp.bfloat16),
            (((1,), (0,)), ((), ())),
            preferred_element_type=jnp.float32))
    o = jnp.concatenate(o_parts, axis=1)
    fe = _dot_t(o, wo_ref[...]) + bo_ref[...] + x
    h1 = _dot_t(fe, w1_ref[...]) + b1_ref[...]
    mu = jnp.mean(h1, axis=-1, keepdims=True)
    var = jnp.mean((h1 - mu) ** 2, axis=-1, keepdims=True)
    hn_ref[0] = (h1 - mu) / jnp.sqrt(var + 1e-5) * g_ref[...] + lb_ref[...]


def _select_kernel(f_ref, tt_ref, thr_ref, rn_ref):
    ft = jnp.transpose(f_ref[...])
    vs = []
    bs = []
    for m in range(_M):
        v = ft * tt_ref[:, m:m + 1]
        vs.append(v)
        bs.append(jax.lax.bitcast_convert_type(v, jnp.int32) & 0x7FFFFFFF)

    def body(i, thr):
        bit = jnp.int32(1) << (30 - i)
        cnts = []
        for m in range(_M):
            cand = thr[m:m + 1, :] | bit
            cnts.append(jnp.sum(jnp.where(bs[m] >= cand, 1, 0), axis=0,
                                keepdims=True))
        cnt = jnp.concatenate(cnts, axis=0)
        return jnp.where(cnt >= _K, thr | bit, thr)

    thr = jax.lax.fori_loop(0, _NBITS, body,
                            jnp.zeros((_M, _SEL_TILE), jnp.int32))
    rns = []
    for m in range(_M):
        keep = bs[m] >= thr[m:m + 1, :]
        ssq = jnp.sum(jnp.where(keep, vs[m] * vs[m], 0.0), axis=0,
                      keepdims=True)
        rns.append(jnp.sqrt(ssq))
    thr_ref[...] = jnp.transpose(thr)
    rn_ref[...] = jnp.transpose(jnp.concatenate(rns, axis=0))


def _expand_kernel(f_ref, t_ref, thr_ref, rn_ref, ge_ref, w2_ref, b2_ref,
                   out_ref):
    f = f_ref[...]
    t = t_ref[...]
    thr = thr_ref[...]
    rn = rn_ref[...]
    q = _dot_t(ge_ref[...], w2_ref[...]) + b2_ref[...]
    p3 = f[:, None, :] * t[None, :, :]
    bits = jax.lax.bitcast_convert_type(p3, jnp.int32) & 0x7FFFFFFF
    keep = bits >= thr[:, :, None]
    scale = q / jnp.maximum(jnp.abs(q) * rn, 1e-6)
    out_ref[...] = jnp.where(keep, p3 * scale[:, :, None], 0.0)


def _full(shape):
    nd = len(shape)
    return pl.BlockSpec(shape, lambda i: (0,) * nd)


@jax.jit
def kernel(F_clean, in_proj_w, in_proj_b, out_proj_w, out_proj_b, w1, b1,
           ln_g, ln_b, w2, b2, templates):
    f32 = jnp.float32

    hn = pl.pallas_call(
        _attn_kernel,
        grid=(_B,),
        in_specs=[
            pl.BlockSpec((1, _N, _D), lambda b: (b, 0, 0)),
            _full((3 * _D, _D)), _full((1, 3 * _D)),
            _full((_D, _D)), _full((1, _D)),
            _full((_D, _D)), _full((1, _D)),
            _full((1, _D)), _full((1, _D)),
        ],
        out_specs=pl.BlockSpec((1, _N, _D), lambda b: (b, 0, 0)),
        out_shape=jax.ShapeDtypeStruct((_B, _N, _D), f32),
    )(F_clean, in_proj_w, in_proj_b.reshape(1, -1), out_proj_w,
      out_proj_b.reshape(1, -1), w1, b1.reshape(1, -1), ln_g.reshape(1, -1),
      ln_b.reshape(1, -1))
    ge = jax.nn.gelu(hn, approximate=False)

    F2 = F_clean.reshape(_BN, _D)
    thr_t, rn_t = pl.pallas_call(
        _select_kernel,
        grid=(_SEL_GRID,),
        in_specs=[
            pl.BlockSpec((_SEL_TILE, _D), lambda i: (i, 0)),
            _full((_D, _M)),
        ],
        out_specs=(
            pl.BlockSpec((_SEL_TILE, _M), lambda i: (i, 0)),
            pl.BlockSpec((_SEL_TILE, _M), lambda i: (i, 0)),
        ),
        out_shape=(
            jax.ShapeDtypeStruct((_BN, _M), jnp.int32),
            jax.ShapeDtypeStruct((_BN, _M), f32),
        ),
    )(F2, templates.T)

    out3 = pl.pallas_call(
        _expand_kernel,
        grid=(_BN // _NT,),
        in_specs=[
            pl.BlockSpec((_NT, _D), lambda i: (i, 0)),
            _full((_M, _D)),
            pl.BlockSpec((_NT, _M), lambda i: (i, 0)),
            pl.BlockSpec((_NT, _M), lambda i: (i, 0)),
            pl.BlockSpec((_NT, _D), lambda i: (i, 0)),
            _full((_M, _D)), _full((1, _M)),
        ],
        out_specs=pl.BlockSpec((_NT, _M, _D), lambda i: (i, 0, 0)),
        out_shape=jax.ShapeDtypeStruct((_BN, _M, _D), f32),
    )(F2, templates, thr_t, rn_t, ge.reshape(_BN, _D), w2,
      b2.reshape(1, -1))

    return out3.reshape(_B, _N, _M, _D).transpose(0, 1, 3, 2)

# --- scband reference (transcript-rebuilt; emitter-appended) ---
"""Pipeline reference for scband-image-only-decomposer-3856880631987 (READ-ONLY COPY).

The authoritative reference and input builder live on the scoring server;
editing this copy changes nothing except your own understanding.
"""

import jax, jax.numpy as jnp
import numpy as np

B, N, D, M, H = 8, 196, 512, 20, 8
SPARSITY = 0.1

def setup_inputs(seed: int = 0) -> dict:
    key = jax.random.key(seed)
    ks = jax.random.split(key, 12)
    return {
        "F_clean": jax.random.normal(ks[0], (B, N, D), dtype=jnp.float32),
        "in_proj_w": jax.random.normal(ks[1], (3 * D, D), dtype=jnp.float32) * 0.02,
        "in_proj_b": jnp.zeros((3 * D,), dtype=jnp.float32),
        "out_proj_w": jax.random.normal(ks[2], (D, D), dtype=jnp.float32) * 0.02,
        "out_proj_b": jnp.zeros((D,), dtype=jnp.float32),
        "w1": jax.random.normal(ks[3], (D, D), dtype=jnp.float32) * 0.02,
        "b1": jnp.zeros((D,), dtype=jnp.float32),
        "ln_g": jnp.ones((D,), dtype=jnp.float32),
        "ln_b": jnp.zeros((D,), dtype=jnp.float32),
        "w2": jax.random.normal(ks[4], (M, D), dtype=jnp.float32) * 0.02,
        "b2": jnp.zeros((M,), dtype=jnp.float32),
        "templates": jax.random.normal(ks[5], (M, D), dtype=jnp.float32),
    }

def reference(F_clean, in_proj_w, in_proj_b, out_proj_w, out_proj_b, w1, b1, ln_g, ln_b, w2, b2, templates):
    b, n, d = F_clean.shape
    hd = d // H
    # self attention (eval mode, dropout off)
    qkv = F_clean @ in_proj_w.T + in_proj_b
    q, k, v = jnp.split(qkv, 3, axis=-1)
    def to_heads(x):
        return x.reshape(b, n, H, hd).transpose(0, 2, 1, 3)
    q = to_heads(q) * (1.0 / np.sqrt(hd))
    k = to_heads(k)
    v = to_heads(v)
    attn = jax.nn.softmax(q @ k.transpose(0, 1, 3, 2), axis=-1)
    o = (attn @ v).transpose(0, 2, 1, 3).reshape(b, n, d)
    F_enhanced = (o @ out_proj_w.T + out_proj_b) + F_clean
    # decompose mlp: Linear -> LayerNorm -> GELU -> Linear
    h = F_enhanced @ w1.T + b1
    mu = jnp.mean(h, axis=-1, keepdims=True)
    var = jnp.mean((h - mu) ** 2, axis=-1, keepdims=True)
    h = (h - mu) / jnp.sqrt(var + 1e-5) * ln_g + ln_b
    h = jax.nn.gelu(h, approximate=False)
    Q_patch = h @ w2.T + b2  # [B, N, M]
    # outer product decomposition: [B, N, D, M]
    Q = F_clean[:, :, :, None] * templates.T[None, None, :, :] * Q_patch[:, :, None, :]
    # sparsity: per (b,n,m) row over D keep top-k by abs
    kk = int(d * SPARSITY)
    if kk < 1:
        kk = 1
    Qr = Q.transpose(0, 1, 3, 2).reshape(b * n * M, d)
    _, topk_idx = jax.lax.top_k(jnp.abs(Qr), kk)
    rows = jnp.arange(Qr.shape[0])[:, None]
    mask = jnp.zeros_like(Qr).at[rows, topk_idx].set(1.0)
    Q_sparse = (Qr * mask).reshape(b, n, M, d).transpose(0, 1, 3, 2)
    norm = jnp.sqrt(jnp.sum(Q_sparse * Q_sparse, axis=2, keepdims=True))
    return Q_sparse / jnp.maximum(norm, 1e-6)

if __name__ == "__main__":
    import jax
    _d = setup_inputs()
    print(jax.jit(kernel)(*tuple(_d.values())))

</pallas_src>

<mosaic_0001>
module attributes {stable_mosaic.version = 14 : i64} {
  func.func @_attn_kernel(%arg0: i32, %arg1: memref<1x196x512xf32, #tpu.memory_space<vmem>>, %arg2: memref<1536x512xf32, #tpu.memory_space<vmem>>, %arg3: memref<1x1536xf32, #tpu.memory_space<vmem>>, %arg4: memref<512x512xf32, #tpu.memory_space<vmem>>, %arg5: memref<1x512xf32, #tpu.memory_space<vmem>>, %arg6: memref<512x512xf32, #tpu.memory_space<vmem>>, %arg7: memref<1x512xf32, #tpu.memory_space<vmem>>, %arg8: memref<1x512xf32, #tpu.memory_space<vmem>>, %arg9: memref<1x512xf32, #tpu.memory_space<vmem>>, %arg10: memref<1x196x512xf32, #tpu.memory_space<vmem>>) attributes {dimension_semantics = [#tpu.dimension_semantics<arbitrary>], iteration_bounds = array<i64: 8>, scalar_prefetch = 0 : i64, scratch_operands = 0 : i64, tpu.core_type = #tpu.core_type<tc>, window_params = [{transform_indices = @transform_0, window_bounds = array<i64: 1, 196, 512>}, {pipeline_mode = #tpu.pipeline_mode<synchronous>, transform_indices = @transform_1, window_bounds = array<i64: 1536, 512>}, {pipeline_mode = #tpu.pipeline_mode<synchronous>, transform_indices = @transform_2, window_bounds = array<i64: 1, 1536>}, {pipeline_mode = #tpu.pipeline_mode<synchronous>, transform_indices = @transform_3, window_bounds = array<i64: 512, 512>}, {pipeline_mode = #tpu.pipeline_mode<synchronous>, transform_indices = @transform_4, window_bounds = array<i64: 1, 512>}, {pipeline_mode = #tpu.pipeline_mode<synchronous>, transform_indices = @transform_5, window_bounds = array<i64: 512, 512>}, {pipeline_mode = #tpu.pipeline_mode<synchronous>, transform_indices = @transform_6, window_bounds = array<i64: 1, 512>}, {pipeline_mode = #tpu.pipeline_mode<synchronous>, transform_indices = @transform_7, window_bounds = array<i64: 1, 512>}, {pipeline_mode = #tpu.pipeline_mode<synchronous>, transform_indices = @transform_8, window_bounds = array<i64: 1, 512>}, {transform_indices = @transform_9, window_bounds = array<i64: 1, 196, 512>}]} {
    %get3A = arith.constant 0 : index
    %get3A_0 = arith.constant 0 : index
    %get3A_1 = arith.constant 0 : index
    %get3A_2 = vector.load %arg1[%get3A, %get3A_0, %get3A_1] : memref<1x196x512xf32, #tpu.memory_space<vmem>>, vector<1x196x512xf32>
    %get3A_3 = vector.shape_cast %get3A_2 : vector<1x196x512xf32> to vector<196x512xf32>
    %get3A_4 = arith.constant 0 : index
    %get3A_5 = arith.constant 0 : index
    %get3A_6 = vector.load %arg2[%get3A_4, %get3A_5] : memref<1536x512xf32, #tpu.memory_space<vmem>>, vector<1536x512xf32>
    %convert_element_type3A = arith.truncf %get3A_3 : vector<196x512xf32> to vector<196x512xbf16>
    %convert_element_type3A_7 = arith.truncf %get3A_6 : vector<1536x512xf32> to vector<1536x512xbf16>
    %dot_general3A = arith.constant dense<0.000000e+00> : vector<196x1536xf32>
    %dot_general3A_8 = tpu.matmul %convert_element_type3A, %convert_element_type3A_7, %dot_general3A {dimension_numbers = #tpu.dot_dimension_numbers<[1], [1], [0], [0], [0, 0, 1, 0], [], []>, transpose_lhs_hint = false} : vector<196x512xbf16>, vector<1536x512xbf16>, vector<196x1536xf32> -> vector<196x1536xf32>
    %get3A_9 = arith.constant 0 : index
    %get3A_10 = arith.constant 0 : index
    %get3A_11 = vector.load %arg3[%get3A_9, %get3A_10] : memref<1x1536xf32, #tpu.memory_space<vmem>>, vector<1x1536xf32>
    %add3A = vector.broadcast %get3A_11 : vector<1x1536xf32> to vector<196x1536xf32>
    %add3A_12 = arith.addf %dot_general3A_8, %add3A : vector<196x1536xf32>
    %slice3A = vector.extract_strided_slice %add3A_12 {offsets = [0, 0], sizes = [196, 512], strides = [1, 1]} : vector<196x1536xf32> to vector<196x512xf32>
    %mul3A = arith.constant 1.250000e-01 : f32
    %mul3A_13 = vector.broadcast %mul3A : f32 to vector<196x512xf32>
    %mul3A_14 = arith.mulf %slice3A, %mul3A_13 : vector<196x512xf32>
    %slice3A_15 = vector.extract_strided_slice %add3A_12 {offsets = [0, 512], sizes = [196, 512], strides = [1, 1]} : vector<196x1536xf32> to vector<196x512xf32>
    %slice3A_16 = vector.extract_strided_slice %add3A_12 {offsets = [0, 1024], sizes = [196, 512], strides = [1, 1]} : vector<196x1536xf32> to vector<196x512xf32>
    %slice3A_17 = vector.extract_strided_slice %mul3A_14 {offsets = [0, 0], sizes = [196, 64], strides = [1, 1]} : vector<196x512xf32> to vector<196x64xf32>
    %slice3A_18 = vector.extract_strided_slice %slice3A_15 {offsets = [0, 0], sizes = [196, 64], strides = [1, 1]} : vector<196x512xf32> to vector<196x64xf32>
    %convert_element_type3A_19 = arith.truncf %slice3A_17 : vector<196x64xf32> to vector<196x64xbf16>
    %convert_element_type3A_20 = arith.truncf %slice3A_18 : vector<196x64xf32> to vector<196x64xbf16>
    %dot_general3A_21 = arith.constant dense<0.000000e+00> : vector<196x196xf32>
    %dot_general3A_22 = tpu.matmul %convert_element_type3A_19, %convert_element_type3A_20, %dot_general3A_21 {dimension_numbers = #tpu.dot_dimension_numbers<[1], [1], [0], [0], [0, 0, 1, 0], [], []>, transpose_lhs_hint = false} : vector<196x64xbf16>, vector<196x64xbf16>, vector<196x196xf32> -> vector<196x196xf32>
    %slice3A_23 = vector.extract_strided_slice %mul3A_14 {offsets = [0, 64], sizes = [196, 64], strides = [1, 1]} : vector<196x512xf32> to vector<196x64xf32>
    %slice3A_24 = vector.extract_strided_slice %slice3A_15 {offsets = [0, 64], sizes = [196, 64], strides = [1, 1]} : vector<196x512xf32> to vector<196x64xf32>
    %convert_element_type3A_25 = arith.truncf %slice3A_23 : vector<196x64xf32> to vector<196x64xbf16>
    %convert_element_type3A_26 = arith.truncf %slice3A_24 : vector<196x64xf32> to vector<196x64xbf16>
    %dot_general3A_27 = arith.constant dense<0.000000e+00> : vector<196x196xf32>
    %dot_general3A_28 = tpu.matmul %convert_element_type3A_25, %convert_element_type3A_26, %dot_general3A_27 {dimension_numbers = #tpu.dot_dimension_numbers<[1], [1], [0], [0], [0, 0, 1, 0], [], []>, transpose_lhs_hint = false} : vector<196x64xbf16>, vector<196x64xbf16>, vector<196x196xf32> -> vector<196x196xf32>
    %slice3A_29 = vector.extract_strided_slice %mul3A_14 {offsets = [0, 128], sizes = [196, 64], strides = [1, 1]} : vector<196x512xf32> to vector<196x64xf32>
    %slice3A_30 = vector.extract_strided_slice %slice3A_15 {offsets = [0, 128], sizes = [196, 64], strides = [1, 1]} : vector<196x512xf32> to vector<196x64xf32>
    %convert_element_type3A_31 = arith.truncf %slice3A_29 : vector<196x64xf32> to vector<196x64xbf16>
    %convert_element_type3A_32 = arith.truncf %slice3A_30 : vector<196x64xf32> to vector<196x64xbf16>
    %dot_general3A_33 = arith.constant dense<0.000000e+00> : vector<196x196xf32>
    %dot_general3A_34 = tpu.matmul %convert_element_type3A_31, %convert_element_type3A_32, %dot_general3A_33 {dimension_numbers = #tpu.dot_dimension_numbers<[1], [1], [0], [0], [0, 0, 1, 0], [], []>, transpose_lhs_hint = false} : vector<196x64xbf16>, vector<196x64xbf16>, vector<196x196xf32> -> vector<196x196xf32>
    %slice3A_35 = vector.extract_strided_slice %mul3A_14 {offsets = [0, 192], sizes = [196, 64], strides = [1, 1]} : vector<196x512xf32> to vector<196x64xf32>
    %slice3A_36 = vector.extract_strided_slice %slice3A_15 {offsets = [0, 192], sizes = [196, 64], strides = [1, 1]} : vector<196x512xf32> to vector<196x64xf32>
    %convert_element_type3A_37 = arith.truncf %slice3A_35 : vector<196x64xf32> to vector<196x64xbf16>
    %convert_element_type3A_38 = arith.truncf %slice3A_36 : vector<196x64xf32> to vector<196x64xbf16>
    %dot_general3A_39 = arith.constant dense<0.000000e+00> : vector<196x196xf32>
    %dot_general3A_40 = tpu.matmul %convert_element_type3A_37, %convert_element_type3A_38, %dot_general3A_39 {dimension_numbers = #tpu.dot_dimension_numbers<[1], [1], [0], [0], [0, 0, 1, 0], [], []>, transpose_lhs_hint = false} : vector<196x64xbf16>, vector<196x64xbf16>, vector<196x196xf32> -> vector<196x196xf32>
    %slice3A_41 = vector.extract_strided_slice %mul3A_14 {offsets = [0, 256], sizes = [196, 64], strides = [1, 1]} : vector<196x512xf32> to vector<196x64xf32>
    %slice3A_42 = vector.extract_strided_slice %slice3A_15 {offsets = [0, 256], sizes = [196, 64], strides = [1, 1]} : vector<196x512xf32> to vector<196x64xf32>
    %convert_element_type3A_43 = arith.truncf %slice3A_41 : vector<196x64xf32> to vector<196x64xbf16>
    %convert_element_type3A_44 = arith.truncf %slice3A_42 : vector<196x64xf32> to vector<196x64xbf16>
    %dot_general3A_45 = arith.constant dense<0.000000e+00> : vector<196x196xf32>
    %dot_general3A_46 = tpu.matmul %convert_element_type3A_43, %convert_element_type3A_44, %dot_general3A_45 {dimension_numbers = #tpu.dot_dimension_numbers<[1], [1], [0], [0], [0, 0, 1, 0], [], []>, transpose_lhs_hint = false} : vector<196x64xbf16>, vector<196x64xbf16>, vector<196x196xf32> -> vector<196x196xf32>
    %slice3A_47 = vector.extract_strided_slice %mul3A_14 {offsets = [0, 320], sizes = [196, 64], strides = [1, 1]} : vector<196x512xf32> to vector<196x64xf32>
    %slice3A_48 = vector.extract_strided_slice %slice3A_15 {offsets = [0, 320], sizes = [196, 64], strides = [1, 1]} : vector<196x512xf32> to vector<196x64xf32>
    %convert_element_type3A_49 = arith.truncf %slice3A_47 : vector<196x64xf32> to vector<196x64xbf16>
    %convert_element_type3A_50 = arith.truncf %slice3A_48 : vector<196x64xf32> to vector<196x64xbf16>
    %dot_general3A_51 = arith.constant dense<0.000000e+00> : vector<196x196xf32>
    %dot_general3A_52 = tpu.matmul %convert_element_type3A_49, %convert_element_type3A_50, %dot_general3A_51 {dimension_numbers = #tpu.dot_dimension_numbers<[1], [1], [0], [0], [0, 0, 1, 0], [], []>, transpose_lhs_hint = false} : vector<196x64xbf16>, vector<196x64xbf16>, vector<196x196xf32> -> vector<196x196xf32>
    %slice3A_53 = vector.extract_strided_slice %mul3A_14 {offsets = [0, 384], sizes = [196, 64], strides = [1, 1]} : vector<196x512xf32> to vector<196x64xf32>
    %slice3A_54 = vector.extract_strided_slice %slice3A_15 {offsets = [0, 384], sizes = [196, 64], strides = [1, 1]} : vector<196x512xf32> to vector<196x64xf32>
    %convert_element_type3A_55 = arith.truncf %slice3A_53 : vector<196x64xf32> to vector<196x64xbf16>
    %convert_element_type3A_56 = arith.truncf %slice3A_54 : vector<196x64xf32> to vector<196x64xbf16>
    %dot_general3A_57 = arith.constant dense<0.000000e+00> : vector<196x196xf32>
    %dot_general3A_58 = tpu.matmul %convert_element_type3A_55, %convert_element_type3A_56, %dot_general3A_57 {dimension_numbers = #tpu.dot_dimension_numbers<[1], [1], [0], [0], [0, 0, 1, 0], [], []>, transpose_lhs_hint = false} : vector<196x64xbf16>, vector<196x64xbf16>, vector<196x196xf32> -> vector<196x196xf32>
    %slice3A_59 = vector.extract_strided_slice %mul3A_14 {offsets = [0, 448], sizes = [196, 64], strides = [1, 1]} : vector<196x512xf32> to vector<196x64xf32>
    %slice3A_60 = vector.extract_strided_slice %slice3A_15 {offsets = [0, 448], sizes = [196, 64], strides = [1, 1]} : vector<196x512xf32> to vector<196x64xf32>
    %convert_element_type3A_61 = arith.truncf %slice3A_59 : vector<196x64xf32> to vector<196x64xbf16>
    %convert_element_type3A_62 = arith.truncf %slice3A_60 : vector<196x64xf32> to vector<196x64xbf16>
    %dot_general3A_63 = arith.constant dense<0.000000e+00> : vector<196x196xf32>
    %dot_general3A_64 = tpu.matmul %convert_element_type3A_61, %convert_element_type3A_62, %dot_general3A_63 {dimension_numbers = #tpu.dot_dimension_numbers<[1], [1], [0], [0], [0, 0, 1, 0], [], []>, transpose_lhs_hint = false} : vector<196x64xbf16>, vector<196x64xbf16>, vector<196x196xf32> -> vector<196x196xf32>
    %stack3A = vector.shape_cast %dot_general3A_22 : vector<196x196xf32> to vector<1x196x196xf32>
    %stack3A_65 = vector.shape_cast %dot_general3A_28 : vector<196x196xf32> to vector<1x196x196xf32>
    %stack3A_66 = vector.shape_cast %dot_general3A_34 : vector<196x196xf32> to vector<1x196x196xf32>
    %stack3A_67 = vector.shape_cast %dot_general3A_40 : vector<196x196xf32> to vector<1x196x196xf32>
    %stack3A_68 = vector.shape_cast %dot_general3A_46 : vector<196x196xf32> to vector<1x196x196xf32>
    %stack3A_69 = vector.shape_cast %dot_general3A_52 : vector<196x196xf32> to vector<1x196x196xf32>
    %stack3A_70 = vector.shape_cast %dot_general3A_58 : vector<196x196xf32> to vector<1x196x196xf32>
    %stack3A_71 = vector.shape_cast %dot_general3A_64 : vector<196x196xf32> to vector<1x196x196xf32>
    %stack3A_72 = tpu.concatenate %stack3A, %stack3A_65, %stack3A_66, %stack3A_67, %stack3A_68, %stack3A_69, %stack3A_70, %stack3A_71 in 0 : vector<1x196x196xf32>, vector<1x196x196xf32>, vector<1x196x196xf32>, vector<1x196x196xf32>, vector<1x196x196xf32>, vector<1x196x196xf32>, vector<1x196x196xf32>, vector<1x196x196xf32> -> vector<8x196x196xf32>
    %reduce_max3A = arith.constant dense<0xFF800000> : vector<8x196xf32>
    %reduce_max3A_73 = vector.multi_reduction <maximumf>, %stack3A_72, %reduce_max3A [2] : vector<8x196x196xf32> to vector<8x196xf32>
    %broadcast_in_dim3A = vector.shape_cast %reduce_max3A_73 : vector<8x196xf32> to vector<8x196x1xf32>
    %sub3A = vector.broadcast %broadcast_in_dim3A : vector<8x196x1xf32> to vector<8x196x196xf32>
    %sub3A_74 = arith.subf %stack3A_72, %sub3A : vector<8x196x196xf32>
    %exp3A = math.exp %sub3A_74 : vector<8x196x196xf32>
    %reduce_sum3A = arith.constant dense<0.000000e+00> : vector<8x196xf32>
    %reduce_sum3A_75 = vector.multi_reduction <add>, %exp3A, %reduce_sum3A [2] : vector<8x196x196xf32> to vector<8x196xf32>
    %broadcast_in_dim3A_76 = vector.shape_cast %reduce_sum3A_75 : vector<8x196xf32> to vector<8x196x1xf32>
    %div3A = vector.broadcast %broadcast_in_dim3A_76 : vector<8x196x1xf32> to vector<8x196x196xf32>
    %div3A_77 = arith.divf %exp3A, %div3A : vector<8x196x196xf32>
    %slice3A_78 = vector.extract_strided_slice %div3A_77 {offsets = [0, 0, 0], sizes = [1, 196, 196], strides = [1, 1, 1]} : vector<8x196x196xf32> to vector<1x196x196xf32>
    %squeeze3A = vector.shape_cast %slice3A_78 : vector<1x196x196xf32> to vector<196x196xf32>
    %convert_element_type3A_79 = arith.truncf %squeeze3A : vector<196x196xf32> to vector<196x196xbf16>
    %slice3A_80 = vector.extract_strided_slice %slice3A_16 {offsets = [0, 0], sizes = [196, 64], strides = [1, 1]} : vector<196x512xf32> to vector<196x64xf32>
    %convert_element_type3A_81 = arith.truncf %slice3A_80 : vector<196x64xf32> to vector<196x64xbf16>
    %dot_general3A_82 = arith.constant dense<0.000000e+00> : vector<196x64xf32>
    %dot_general3A_83 = tpu.matmul %convert_element_type3A_79, %convert_element_type3A_81, %dot_general3A_82 {dimension_numbers = #tpu.dot_dimension_numbers<[1], [0], [0], [1], [0, 0, 1, 1], [], []>, transpose_lhs_hint = false} : vector<196x196xbf16>, vector<196x64xbf16>, vector<196x64xf32> -> vector<196x64xf32>
    %slice3A_84 = vector.extract_strided_slice %div3A_77 {offsets = [1, 0, 0], sizes = [1, 196, 196], strides = [1, 1, 1]} : vector<8x196x196xf32> to vector<1x196x196xf32>
    %squeeze3A_85 = vector.shape_cast %slice3A_84 : vector<1x196x196xf32> to vector<196x196xf32>
    %convert_element_type3A_86 = arith.truncf %squeeze3A_85 : vector<196x196xf32> to vector<196x196xbf16>
    %slice3A_87 = vector.extract_strided_slice %slice3A_16 {offsets = [0, 64], sizes = [196, 64], strides = [1, 1]} : vector<196x512xf32> to vector<196x64xf32>
    %convert_element_type3A_88 = arith.truncf %slice3A_87 : vector<196x64xf32> to vector<196x64xbf16>
    %dot_general3A_89 = arith.constant dense<0.000000e+00> : vector<196x64xf32>
    %dot_general3A_90 = tpu.matmul %convert_element_type3A_86, %convert_element_type3A_88, %dot_general3A_89 {dimension_numbers = #tpu.dot_dimension_numbers<[1], [0], [0], [1], [0, 0, 1, 1], [], []>, transpose_lhs_hint = false} : vector<196x196xbf16>, vector<196x64xbf16>, vector<196x64xf32> -> vector<196x64xf32>
    %slice3A_91 = vector.extract_strided_slice %div3A_77 {offsets = [2, 0, 0], sizes = [1, 196, 196], strides = [1, 1, 1]} : vector<8x196x196xf32> to vector<1x196x196xf32>
    %squeeze3A_92 = vector.shape_cast %slice3A_91 : vector<1x196x196xf32> to vector<196x196xf32>
    %convert_element_type3A_93 = arith.truncf %squeeze3A_92 : vector<196x196xf32> to vector<196x196xbf16>
    %slice3A_94 = vector.extract_strided_slice %slice3A_16 {offsets = [0, 128], sizes = [196, 64], strides = [1, 1]} : vector<196x512xf32> to vector<196x64xf32>
    %convert_element_type3A_95 = arith.truncf %slice3A_94 : vector<196x64xf32> to vector<196x64xbf16>
    %dot_general3A_96 = arith.constant dense<0.000000e+00> : vector<196x64xf32>
    %dot_general3A_97 = tpu.matmul %convert_element_type3A_93, %convert_element_type3A_95, %dot_general3A_96 {dimension_numbers = #tpu.dot_dimension_numbers<[1], [0], [0], [1], [0, 0, 1, 1], [], []>, transpose_lhs_hint = false} : vector<196x196xbf16>, vector<196x64xbf16>, vector<196x64xf32> -> vector<196x64xf32>
    %slice3A_98 = vector.extract_strided_slice %div3A_77 {offsets = [3, 0, 0], sizes = [1, 196, 196], strides = [1, 1, 1]} : vector<8x196x196xf32> to vector<1x196x196xf32>
    %squeeze3A_99 = vector.shape_cast %slice3A_98 : vector<1x196x196xf32> to vector<196x196xf32>
    %convert_element_type3A_100 = arith.truncf %squeeze3A_99 : vector<196x196xf32> to vector<196x196xbf16>
    %slice3A_101 = vector.extract_strided_slice %slice3A_16 {offsets = [0, 192], sizes = [196, 64], strides = [1, 1]} : vector<196x512xf32> to vector<196x64xf32>
    %convert_element_type3A_102 = arith.truncf %slice3A_101 : vector<196x64xf32> to vector<196x64xbf16>
    %dot_general3A_103 = arith.constant dense<0.000000e+00> : vector<196x64xf32>
    %dot_general3A_104 = tpu.matmul %convert_element_type3A_100, %convert_element_type3A_102, %dot_general3A_103 {dimension_numbers = #tpu.dot_dimension_numbers<[1], [0], [0], [1], [0, 0, 1, 1], [], []>, transpose_lhs_hint = false} : vector<196x196xbf16>, vector<196x64xbf16>, vector<196x64xf32> -> vector<196x64xf32>
    %slice3A_105 = vector.extract_strided_slice %div3A_77 {offsets = [4, 0, 0], sizes = [1, 196, 196], strides = [1, 1, 1]} : vector<8x196x196xf32> to vector<1x196x196xf32>
    %squeeze3A_106 = vector.shape_cast %slice3A_105 : vector<1x196x196xf32> to vector<196x196xf32>
    %convert_element_type3A_107 = arith.truncf %squeeze3A_106 : vector<196x196xf32> to vector<196x196xbf16>
    %slice3A_108 = vector.extract_strided_slice %slice3A_16 {offsets = [0, 256], sizes = [196, 64], strides = [1, 1]} : vector<196x512xf32> to vector<196x64xf32>
    %convert_element_type3A_109 = arith.truncf %slice3A_108 : vector<196x64xf32> to vector<196x64xbf16>
    %dot_general3A_110 = arith.constant dense<0.000000e+00> : vector<196x64xf32>
    %dot_general3A_111 = tpu.matmul %convert_element_type3A_107, %convert_element_type3A_109, %dot_general3A_110 {dimension_numbers = #tpu.dot_dimension_numbers<[1], [0], [0], [1], [0, 0, 1, 1], [], []>, transpose_lhs_hint = false} : vector<196x196xbf16>, vector<196x64xbf16>, vector<196x64xf32> -> vector<196x64xf32>
    %slice3A_112 = vector.extract_strided_slice %div3A_77 {offsets = [5, 0, 0], sizes = [1, 196, 196], strides = [1, 1, 1]} : vector<8x196x196xf32> to vector<1x196x196xf32>
    %squeeze3A_113 = vector.shape_cast %slice3A_112 : vector<1x196x196xf32> to vector<196x196xf32>
    %convert_element_type3A_114 = arith.truncf %squeeze3A_113 : vector<196x196xf32> to vector<196x196xbf16>
    %slice3A_115 = vector.extract_strided_slice %slice3A_16 {offsets = [0, 320], sizes = [196, 64], strides = [1, 1]} : vector<196x512xf32> to vector<196x64xf32>
    %convert_element_type3A_116 = arith.truncf %slice3A_115 : vector<196x64xf32> to vector<196x64xbf16>
    %dot_general3A_117 = arith.constant dense<0.000000e+00> : vector<196x64xf32>
    %dot_general3A_118 = tpu.matmul %convert_element_type3A_114, %convert_element_type3A_116, %dot_general3A_117 {dimension_numbers = #tpu.dot_dimension_numbers<[1], [0], [0], [1], [0, 0, 1, 1], [], []>, transpose_lhs_hint = false} : vector<196x196xbf16>, vector<196x64xbf16>, vector<196x64xf32> -> vector<196x64xf32>
    %slice3A_119 = vector.extract_strided_slice %div3A_77 {offsets = [6, 0, 0], sizes = [1, 196, 196], strides = [1, 1, 1]} : vector<8x196x196xf32> to vector<1x196x196xf32>
    %squeeze3A_120 = vector.shape_cast %slice3A_119 : vector<1x196x196xf32> to vector<196x196xf32>
    %convert_element_type3A_121 = arith.truncf %squeeze3A_120 : vector<196x196xf32> to vector<196x196xbf16>
    %slice3A_122 = vector.extract_strided_slice %slice3A_16 {offsets = [0, 384], sizes = [196, 64], strides = [1, 1]} : vector<196x512xf32> to vector<196x64xf32>
    %convert_element_type3A_123 = arith.truncf %slice3A_122 : vector<196x64xf32> to vector<196x64xbf16>
    %dot_general3A_124 = arith.constant dense<0.000000e+00> : vector<196x64xf32>
    %dot_general3A_125 = tpu.matmul %convert_element_type3A_121, %convert_element_type3A_123, %dot_general3A_124 {dimension_numbers = #tpu.dot_dimension_numbers<[1], [0], [0], [1], [0, 0, 1, 1], [], []>, transpose_lhs_hint = false} : vector<196x196xbf16>, vector<196x64xbf16>, vector<196x64xf32> -> vector<196x64xf32>
    %slice3A_126 = vector.extract_strided_slice %div3A_77 {offsets = [7, 0, 0], sizes = [1, 196, 196], strides = [1, 1, 1]} : vector<8x196x196xf32> to vector<1x196x196xf32>
    %squeeze3A_127 = vector.shape_cast %slice3A_126 : vector<1x196x196xf32> to vector<196x196xf32>
    %convert_element_type3A_128 = arith.truncf %squeeze3A_127 : vector<196x196xf32> to vector<196x196xbf16>
    %slice3A_129 = vector.extract_strided_slice %slice3A_16 {offsets = [0, 448], sizes = [196, 64], strides = [1, 1]} : vector<196x512xf32> to vector<196x64xf32>
    %convert_element_type3A_130 = arith.truncf %slice3A_129 : vector<196x64xf32> to vector<196x64xbf16>
    %dot_general3A_131 = arith.constant dense<0.000000e+00> : vector<196x64xf32>
    %dot_general3A_132 = tpu.matmul %convert_element_type3A_128, %convert_element_type3A_130, %dot_general3A_131 {dimension_numbers = #tpu.dot_dimension_numbers<[1], [0], [0], [1], [0, 0, 1, 1], [], []>, transpose_lhs_hint = false} : vector<196x196xbf16>, vector<196x64xbf16>, vector<196x64xf32> -> vector<196x64xf32>
    %concatenate3A = tpu.concatenate %dot_general3A_83, %dot_general3A_90, %dot_general3A_97, %dot_general3A_104, %dot_general3A_111, %dot_general3A_118, %dot_general3A_125, %dot_general3A_132 in 1 : vector<196x64xf32>, vector<196x64xf32>, vector<196x64xf32>, vector<196x64xf32>, vector<196x64xf32>, vector<196x64xf32>, vector<196x64xf32>, vector<196x64xf32> -> vector<196x512xf32>
    %get3A_133 = arith.constant 0 : index
    %get3A_134 = arith.constant 0 : index
    %get3A_135 = vector.load %arg4[%get3A_133, %get3A_134] : memref<512x512xf32, #tpu.memory_space<vmem>>, vector<512x512xf32>
    %convert_element_type3A_136 = arith.truncf %concatenate3A : vector<196x512xf32> to vector<196x512xbf16>
    %convert_element_type3A_137 = arith.truncf %get3A_135 : vector<512x512xf32> to vector<512x512xbf16>
    %dot_general3A_138 = arith.constant dense<0.000000e+00> : vector<196x512xf32>
    %dot_general3A_139 = tpu.matmul %convert_element_type3A_136, %convert_element_type3A_137, %dot_general3A_138 {dimension_numbers = #tpu.dot_dimension_numbers<[1], [1], [0], [0], [0, 0, 1, 0], [], []>, transpose_lhs_hint = false} : vector<196x512xbf16>, vector<512x512xbf16>, vector<196x512xf32> -> vector<196x512xf32>
    %get3A_140 = arith.constant 0 : index
    %get3A_141 = arith.constant 0 : index
    %get3A_142 = vector.load %arg5[%get3A_140, %get3A_141] : memref<1x512xf32, #tpu.memory_space<vmem>>, vector<1x512xf32>
    %add3A_143 = vector.broadcast %get3A_142 : vector<1x512xf32> to vector<196x512xf32>
    %add3A_144 = arith.addf %dot_general3A_139, %add3A_143 : vector<196x512xf32>
    %add3A_145 = arith.addf %add3A_144, %get3A_3 : vector<196x512xf32>
    %get3A_146 = arith.constant 0 : index
    %get3A_147 = arith.constant 0 : index
    %get3A_148 = vector.load %arg6[%get3A_146, %get3A_147] : memref<512x512xf32, #tpu.memory_space<vmem>>, vector<512x512xf32>
    %convert_element_type3A_149 = arith.truncf %add3A_145 : vector<196x512xf32> to vector<196x512xbf16>
    %convert_element_type3A_150 = arith.truncf %get3A_148 : vector<512x512xf32> to vector<512x512xbf16>
    %dot_general3A_151 = arith.constant dense<0.000000e+00> : vector<196x512xf32>
    %dot_general3A_152 = tpu.matmul %convert_element_type3A_149, %convert_element_type3A_150, %dot_general3A_151 {dimension_numbers = #tpu.dot_dimension_numbers<[1], [1], [0], [0], [0, 0, 1, 0], [], []>, transpose_lhs_hint = false} : vector<196x512xbf16>, vector<512x512xbf16>, vector<196x512xf32> -> vector<196x512xf32>
    %get3A_153 = arith.constant 0 : index
    %get3A_154 = arith.constant 0 : index
    %get3A_155 = vector.load %arg7[%get3A_153, %get3A_154] : memref<1x512xf32, #tpu.memory_space<vmem>>, vector<1x512xf32>
    %add3A_156 = vector.broadcast %get3A_155 : vector<1x512xf32> to vector<196x512xf32>
    %add3A_157 = arith.addf %dot_general3A_152, %add3A_156 : vector<196x512xf32>
    %reduce_sum3A_158 = arith.constant dense<0.000000e+00> : vector<196xf32>
    %reduce_sum3A_159 = vector.multi_reduction <add>, %add3A_157, %reduce_sum3A_158 [1] : vector<196x512xf32> to vector<196xf32>
    %broadcast_in_dim3A_160 = vector.shape_cast %reduce_sum3A_159 : vector<196xf32> to vector<196x1xf32>
    %div3A_161 = arith.constant 5.120000e+02 : f32
    %div3A_162 = vector.broadcast %div3A_161 : f32 to vector<196x1xf32>
    %div3A_163 = arith.divf %broadcast_in_dim3A_160, %div3A_162 : vector<196x1xf32>
    %sub3A_164 = vector.broadcast %div3A_163 : vector<196x1xf32> to vector<196x512xf32>
    %sub3A_165 = arith.subf %add3A_157, %sub3A_164 : vector<196x512xf32>
    %integer_pow3A = arith.mulf %sub3A_165, %sub3A_165 : vector<196x512xf32>
    %reduce_sum3A_166 = arith.constant dense<0.000000e+00> : vector<196xf32>
    %reduce_sum3A_167 = vector.multi_reduction <add>, %integer_pow3A, %reduce_sum3A_166 [1] : vector<196x512xf32> to vector<196xf32>
    %broadcast_in_dim3A_168 = vector.shape_cast %reduce_sum3A_167 : vector<196xf32> to vector<196x1xf32>
    %div3A_169 = arith.constant 5.120000e+02 : f32
    %div3A_170 = vector.broadcast %div3A_169 : f32 to vector<196x1xf32>
    %div3A_171 = arith.divf %broadcast_in_dim3A_168, %div3A_170 : vector<196x1xf32>
    %sub3A_172 = vector.broadcast %div3A_163 : vector<196x1xf32> to vector<196x512xf32>
    %sub3A_173 = arith.subf %add3A_157, %sub3A_172 : vector<196x512xf32>
    %add3A_174 = arith.constant 9.99999974E-6 : f32
    %add3A_175 = vector.broadcast %add3A_174 : f32 to vector<196x1xf32>
    %add3A_176 = arith.addf %div3A_171, %add3A_175 : vector<196x1xf32>
    %sqrt3A = math.sqrt %add3A_176 : vector<196x1xf32>
    %div3A_177 = vector.broadcast %sqrt3A : vector<196x1xf32> to vector<196x512xf32>
    %div3A_178 = arith.divf %sub3A_173, %div3A_177 : vector<196x512xf32>
    %get3A_179 = arith.constant 0 : index
    %get3A_180 = arith.constant 0 : index
    %get3A_181 = vector.load %arg8[%get3A_179, %get3A_180] : memref<1x512xf32, #tpu.memory_space<vmem>>, vector<1x512xf32>
    %mul3A_182 = vector.broadcast %get3A_181 : vector<1x512xf32> to vector<196x512xf32>
    %mul3A_183 = arith.mulf %div3A_178, %mul3A_182 : vector<196x512xf32>
    %get3A_184 = arith.constant 0 : index
    %get3A_185 = arith.constant 0 : index
    %get3A_186 = vector.load %arg9[%get3A_184, %get3A_185] : memref<1x512xf32, #tpu.memory_space<vmem>>, vector<1x512xf32>
    %add3A_187 = vector.broadcast %get3A_186 : vector<1x512xf32> to vector<196x512xf32>
    %add3A_188 = arith.addf %mul3A_183, %add3A_187 : vector<196x512xf32>
    %swap3A = arith.constant 0 : index
    %swap3A_189 = arith.constant 0 : index
    %swap3A_190 = arith.constant 0 : index
    %swap3A_191 = vector.load %arg10[%swap3A, %swap3A_189, %swap3A_190] : memref<1x196x512xf32, #tpu.memory_space<vmem>>, vector<1x196x512xf32>
    %swap3A_192 = vector.shape_cast %swap3A_191 : vector<1x196x512xf32> to vector<196x512xf32>
    %swap3A_193 = vector.shape_cast %add3A_188 : vector<196x512xf32> to vector<1x196x512xf32>
    tpu.vector_store %arg10[%swap3A, %swap3A_189, %swap3A_190], %swap3A_193 {strides = array<i32>} : memref<1x196x512xf32, #tpu.memory_space<vmem>>, vector<1x196x512xf32>,
    return
  }
  func.func @transform_0(%arg0: i32) -> (i32, i32, i32) {
    %c0_i32 = arith.constant 0 : i32
    %c0_i32_0 = arith.constant 0 : i32
    %c0_i32_1 = arith.constant 0 : i32
    return %arg0, %c0_i32, %c0_i32_0 : i32, i32, i32
  }
  func.func @transform_1(%arg0: i32) -> (i32, i32) {
    %c0_i32 = arith.constant 0 : i32
    %c0_i32_0 = arith.constant 0 : i32
    %c0_i32_1 = arith.constant 0 : i32
    return %c0_i32, %c0_i32_0 : i32, i32
  }
  func.func @transform_2(%arg0: i32) -> (i32, i32) {
    %c0_i32 = arith.constant 0 : i32
    %c0_i32_0 = arith.constant 0 : i32
    %c0_i32_1 = arith.constant 0 : i32
    return %c0_i32, %c0_i32_0 : i32, i32
  }
  func.func @transform_3(%arg0: i32) -> (i32, i32) {
    %c0_i32 = arith.constant 0 : i32
    %c0_i32_0 = arith.constant 0 : i32
    %c0_i32_1 = arith.constant 0 : i32
    return %c0_i32, %c0_i32_0 : i32, i32
  }
  func.func @transform_4(%arg0: i32) -> (i32, i32) {
    %c0_i32 = arith.constant 0 : i32
    %c0_i32_0 = arith.constant 0 : i32
    %c0_i32_1 = arith.constant 0 : i32
    return %c0_i32, %c0_i32_0 : i32, i32
  }
  func.func @transform_5(%arg0: i32) -> (i32, i32) {
    %c0_i32 = arith.constant 0 : i32
    %c0_i32_0 = arith.constant 0 : i32
    %c0_i32_1 = arith.constant 0 : i32
    return %c0_i32, %c0_i32_0 : i32, i32
  }
  func.func @transform_6(%arg0: i32) -> (i32, i32) {
    %c0_i32 = arith.constant 0 : i32
    %c0_i32_0 = arith.constant 0 : i32
    %c0_i32_1 = arith.constant 0 : i32
    return %c0_i32, %c0_i32_0 : i32, i32
  }
  func.func @transform_7(%arg0: i32) -> (i32, i32) {
    %c0_i32 = arith.constant 0 : i32
    %c0_i32_0 = arith.constant 0 : i32
    %c0_i32_1 = arith.constant 0 : i32
    return %c0_i32, %c0_i32_0 : i32, i32
  }
  func.func @transform_8(%arg0: i32) -> (i32, i32) {
    %c0_i32 = arith.constant 0 : i32
    %c0_i32_0 = arith.constant 0 : i32
    %c0_i32_1 = arith.constant 0 : i32
    return %c0_i32, %c0_i32_0 : i32, i32
  }
  func.func @transform_9(%arg0: i32) -> (i32, i32, i32) {
    %c0_i32 = arith.constant 0 : i32
    %c0_i32_0 = arith.constant 0 : i32
    %c0_i32_1 = arith.constant 0 : i32
    return %arg0, %c0_i32, %c0_i32_0 : i32, i32, i32
  }
}

module attributes {stable_mosaic.version = 14 : i64} {
  func.func @_select_kernel(%arg0: i32, %arg1: memref<256x512xf32, #tpu.memory_space<vmem>>, %arg2: memref<512x20xf32, #tpu.memory_space<vmem>>, %arg3: memref<256x20xi32, #tpu.memory_space<vmem>>, %arg4: memref<256x20xf32, #tpu.memory_space<vmem>>) attributes {dimension_semantics = [#tpu.dimension_semantics<arbitrary>], iteration_bounds = array<i64: 7>, scalar_prefetch = 0 : i64, scratch_operands = 0 : i64, tpu.core_type = #tpu.core_type<tc>, window_params = [{transform_indices = @transform_0, window_bounds = array<i64: 256, 512>}, {pipeline_mode = #tpu.pipeline_mode<synchronous>, transform_indices = @transform_1, window_bounds = array<i64: 512, 20>}, {transform_indices = @transform_2, window_bounds = array<i64: 256, 20>}, {transform_indices = @transform_3, window_bounds = array<i64: 256, 20>}]} {
    %get3A = arith.constant 0 : index
    %get3A_0 = arith.constant 0 : index
    %get3A_1 = vector.load %arg1[%get3A, %get3A_0] : memref<256x512xf32, #tpu.memory_space<vmem>>, vector<256x512xf32>
    %transpose3A = tpu.transpose %get3A_1, [1, 0] : vector<256x512xf32> -> vector<512x256xf32>
    %get3A_2 = arith.constant 0 : index
    %get3A_3 = arith.constant 0 : index
    %get3A_4 = vector.load %arg2[%get3A_2, %get3A_3] : memref<512x20xf32, #tpu.memory_space<vmem>>, vector<512x1xf32>
    %mul3A = vector.broadcast %get3A_4 : vector<512x1xf32> to vector<512x256xf32>
    %mul3A_5 = arith.mulf %transpose3A, %mul3A : vector<512x256xf32>
    %bitcast_convert_type3A = tpu.bitcast %mul3A_5 : vector<512x256xf32> -> vector<512x256xi32>
    %and3A = arith.constant 2147483647 : i32
    %and3A_6 = vector.broadcast %and3A : i32 to vector<512x256xi32>
    %and3A_7 = arith.andi %bitcast_convert_type3A, %and3A_6 : vector<512x256xi32>
    %get3A_8 = arith.constant 0 : index
    %get3A_9 = arith.constant 1 : index
    %get3A_10 = vector.load %arg2[%get3A_8, %get3A_9] : memref<512x20xf32, #tpu.memory_space<vmem>>, vector<512x1xf32>
    %mul3A_11 = vector.broadcast %get3A_10 : vector<512x1xf32> to vector<512x256xf32>
    %mul3A_12 = arith.mulf %transpose3A, %mul3A_11 : vector<512x256xf32>
    %bitcast_convert_type3A_13 = tpu.bitcast %mul3A_12 : vector<512x256xf32> -> vector<512x256xi32>
    %and3A_14 = arith.constant 2147483647 : i32
    %and3A_15 = vector.broadcast %and3A_14 : i32 to vector<512x256xi32>
    %and3A_16 = arith.andi %bitcast_convert_type3A_13, %and3A_15 : vector<512x256xi32>
    %get3A_17 = arith.constant 0 : index
    %get3A_18 = arith.constant 2 : index
    %get3A_19 = vector.load %arg2[%get3A_17, %get3A_18] : memref<512x20xf32, #tpu.memory_space<vmem>>, vector<512x1xf32>
    %mul3A_20 = vector.broadcast %get3A_19 : vector<512x1xf32> to vector<512x256xf32>
    %mul3A_21 = arith.mulf %transpose3A, %mul3A_20 : vector<512x256xf32>
    %bitcast_convert_type3A_22 = tpu.bitcast %mul3A_21 : vector<512x256xf32> -> vector<512x256xi32>
    %and3A_23 = arith.constant 2147483647 : i32
    %and3A_24 = vector.broadcast %and3A_23 : i32 to vector<512x256xi32>
    %and3A_25 = arith.andi %bitcast_convert_type3A_22, %and3A_24 : vector<512x256xi32>
    %get3A_26 = arith.constant 0 : index
    %get3A_27 = arith.constant 3 : index
    %get3A_28 = vector.load %arg2[%get3A_26, %get3A_27] : memref<512x20xf32, #tpu.memory_space<vmem>>, vector<512x1xf32>
    %mul3A_29 = vector.broadcast %get3A_28 : vector<512x1xf32> to vector<512x256xf32>
    %mul3A_30 = arith.mulf %transpose3A, %mul3A_29 : vector<512x256xf32>
    %bitcast_convert_type3A_31 = tpu.bitcast %mul3A_30 : vector<512x256xf32> -> vector<512x256xi32>
    %and3A_32 = arith.constant 2147483647 : i32
    %and3A_33 = vector.broadcast %and3A_32 : i32 to vector<512x256xi32>
    %and3A_34 = arith.andi %bitcast_convert_type3A_31, %and3A_33 : vector<512x256xi32>
    %get3A_35 = arith.constant 0 : index
    %get3A_36 = arith.constant 4 : index
    %get3A_37 = vector.load %arg2[%get3A_35, %get3A_36] : memref<512x20xf32, #tpu.memory_space<vmem>>, vector<512x1xf32>
    %mul3A_38 = vector.broadcast %get3A_37 : vector<512x1xf32> to vector<512x256xf32>
    %mul3A_39 = arith.mulf %transpose3A, %mul3A_38 : vector<512x256xf32>
    %bitcast_convert_type3A_40 = tpu.bitcast %mul3A_39 : vector<512x256xf32> -> vector<512x256xi32>
    %and3A_41 = arith.constant 2147483647 : i32
    %and3A_42 = vector.broadcast %and3A_41 : i32 to vector<512x256xi32>
    %and3A_43 = arith.andi %bitcast_convert_type3A_40, %and3A_42 : vector<512x256xi32>
    %get3A_44 = arith.constant 0 : index
    %get3A_45 = arith.constant 5 : index
    %get3A_46 = vector.load %arg2[%get3A_44, %get3A_45] : memref<512x20xf32, #tpu.memory_space<vmem>>, vector<512x1xf32>
    %mul3A_47 = vector.broadcast %get3A_46 : vector<512x1xf32> to vector<512x256xf32>
    %mul3A_48 = arith.mulf %transpose3A, %mul3A_47 : vector<512x256xf32>
    %bitcast_convert_type3A_49 = tpu.bitcast %mul3A_48 : vector<512x256xf32> -> vector<512x256xi32>
    %and3A_50 = arith.constant 2147483647 : i32
    %and3A_51 = vector.broadcast %and3A_50 : i32 to vector<512x256xi32>
    %and3A_52 = arith.andi %bitcast_convert_type3A_49, %and3A_51 : vector<512x256xi32>
    %get3A_53 = arith.constant 0 : index
    %get3A_54 = arith.constant 6 : index
    %get3A_55 = vector.load %arg2[%get3A_53, %get3A_54] : memref<512x20xf32, #tpu.memory_space<vmem>>, vector<512x1xf32>
    %mul3A_56 = vector.broadcast %get3A_55 : vector<512x1xf32> to vector<512x256xf32>
    %mul3A_57 = arith.mulf %transpose3A, %mul3A_56 : vector<512x256xf32>
    %bitcast_convert_type3A_58 = tpu.bitcast %mul3A_57 : vector<512x256xf32> -> vector<512x256xi32>
    %and3A_59 = arith.constant 2147483647 : i32
    %and3A_60 = vector.broadcast %and3A_59 : i32 to vector<512x256xi32>
    %and3A_61 = arith.andi %bitcast_convert_type3A_58, %and3A_60 : vector<512x256xi32>
    %get3A_62 = arith.constant 0 : index
    %get3A_63 = arith.constant 7 : index
    %get3A_64 = vector.load %arg2[%get3A_62, %get3A_63] : memref<512x20xf32, #tpu.memory_space<vmem>>, vector<512x1xf32>
    %mul3A_65 = vector.broadcast %get3A_64 : vector<512x1xf32> to vector<512x256xf32>
    %mul3A_66 = arith.mulf %transpose3A, %mul3A_65 : vector<512x256xf32>
    %bitcast_convert_type3A_67 = tpu.bitcast %mul3A_66 : vector<512x256xf32> -> vector<512x256xi32>
    %and3A_68 = arith.constant 2147483647 : i32
    %and3A_69 = vector.broadcast %and3A_68 : i32 to vector<512x256xi32>
    %and3A_70 = arith.andi %bitcast_convert_type3A_67, %and3A_69 : vector<512x256xi32>
    %get3A_71 = arith.constant 0 : index
    %get3A_72 = arith.constant 8 : index
    %get3A_73 = vector.load %arg2[%get3A_71, %get3A_72] : memref<512x20xf32, #tpu.memory_space<vmem>>, vector<512x1xf32>
    %mul3A_74 = vector.broadcast %get3A_73 : vector<512x1xf32> to vector<512x256xf32>
    %mul3A_75 = arith.mulf %transpose3A, %mul3A_74 : vector<512x256xf32>
    %bitcast_convert_type3A_76 = tpu.bitcast %mul3A_75 : vector<512x256xf32> -> vector<512x256xi32>
    %and3A_77 = arith.constant 2147483647 : i32
    %and3A_78 = vector.broadcast %and3A_77 : i32 to vector<512x256xi32>
    %and3A_79 = arith.andi %bitcast_convert_type3A_76, %and3A_78 : vector<512x256xi32>
    %get3A_80 = arith.constant 0 : index
    %get3A_81 = arith.constant 9 : index
    %get3A_82 = vector.load %arg2[%get3A_80, %get3A_81] : memref<512x20xf32, #tpu.memory_space<vmem>>, vector<512x1xf32>
    %mul3A_83 = vector.broadcast %get3A_82 : vector<512x1xf32> to vector<512x256xf32>
    %mul3A_84 = arith.mulf %transpose3A, %mul3A_83 : vector<512x256xf32>
    %bitcast_convert_type3A_85 = tpu.bitcast %mul3A_84 : vector<512x256xf32> -> vector<512x256xi32>
    %and3A_86 = arith.constant 2147483647 : i32
    %and3A_87 = vector.broadcast %and3A_86 : i32 to vector<512x256xi32>
    %and3A_88 = arith.andi %bitcast_convert_type3A_85, %and3A_87 : vector<512x256xi32>
    %get3A_89 = arith.constant 0 : index
    %get3A_90 = arith.constant 10 : index
    %get3A_91 = vector.load %arg2[%get3A_89, %get3A_90] : memref<512x20xf32, #tpu.memory_space<vmem>>, vector<512x1xf32>
    %mul3A_92 = vector.broadcast %get3A_91 : vector<512x1xf32> to vector<512x256xf32>
    %mul3A_93 = arith.mulf %transpose3A, %mul3A_92 : vector<512x256xf32>
    %bitcast_convert_type3A_94 = tpu.bitcast %mul3A_93 : vector<512x256xf32> -> vector<512x256xi32>
    %and3A_95 = arith.constant 2147483647 : i32
    %and3A_96 = vector.broadcast %and3A_95 : i32 to vector<512x256xi32>
    %and3A_97 = arith.andi %bitcast_convert_type3A_94, %and3A_96 : vector<512x256xi32>
    %get3A_98 = arith.constant 0 : index
    %get3A_99 = arith.constant 11 : index
    %get3A_100 = vector.load %arg2[%get3A_98, %get3A_99] : memref<512x20xf32, #tpu.memory_space<vmem>>, vector<512x1xf32>
    %mul3A_101 = vector.broadcast %get3A_100 : vector<512x1xf32> to vector<512x256xf32>
    %mul3A_102 = arith.mulf %transpose3A, %mul3A_101 : vector<512x256xf32>
    %bitcast_convert_type3A_103 = tpu.bitcast %mul3A_102 : vector<512x256xf32> -> vector<512x256xi32>
    %and3A_104 = arith.constant 2147483647 : i32
    %and3A_105 = vector.broadcast %and3A_104 : i32 to vector<512x256xi32>
    %and3A_106 = arith.andi %bitcast_convert_type3A_103, %and3A_105 : vector<512x256xi32>
    %get3A_107 = arith.constant 0 : index
    %get3A_108 = arith.constant 12 : index
    %get3A_109 = vector.load %arg2[%get3A_107, %get3A_108] : memref<512x20xf32, #tpu.memory_space<vmem>>, vector<512x1xf32>
    %mul3A_110 = vector.broadcast %get3A_109 : vector<512x1xf32> to vector<512x256xf32>
    %mul3A_111 = arith.mulf %transpose3A, %mul3A_110 : vector<512x256xf32>
    %bitcast_convert_type3A_112 = tpu.bitcast %mul3A_111 : vector<512x256xf32> -> vector<512x256xi32>
    %and3A_113 = arith.constant 2147483647 : i32
    %and3A_114 = vector.broadcast %and3A_113 : i32 to vector<512x256xi32>
    %and3A_115 = arith.andi %bitcast_convert_type3A_112, %and3A_114 : vector<512x256xi32>
    %get3A_116 = arith.constant 0 : index
    %get3A_117 = arith.constant 13 : index
    %get3A_118 = vector.load %arg2[%get3A_116, %get3A_117] : memref<512x20xf32, #tpu.memory_space<vmem>>, vector<512x1xf32>
    %mul3A_119 = vector.broadcast %get3A_118 : vector<512x1xf32> to vector<512x256xf32>
    %mul3A_120 = arith.mulf %transpose3A, %mul3A_119 : vector<512x256xf32>
    %bitcast_convert_type3A_121 = tpu.bitcast %mul3A_120 : vector<512x256xf32> -> vector<512x256xi32>
    %and3A_122 = arith.constant 2147483647 : i32
    %and3A_123 = vector.broadcast %and3A_122 : i32 to vector<512x256xi32>
    %and3A_124 = arith.andi %bitcast_convert_type3A_121, %and3A_123 : vector<512x256xi32>
    %get3A_125 = arith.constant 0 : index
    %get3A_126 = arith.constant 14 : index
    %get3A_127 = vector.load %arg2[%get3A_125, %get3A_126] : memref<512x20xf32, #tpu.memory_space<vmem>>, vector<512x1xf32>
    %mul3A_128 = vector.broadcast %get3A_127 : vector<512x1xf32> to vector<512x256xf32>
    %mul3A_129 = arith.mulf %transpose3A, %mul3A_128 : vector<512x256xf32>
    %bitcast_convert_type3A_130 = tpu.bitcast %mul3A_129 : vector<512x256xf32> -> vector<512x256xi32>
    %and3A_131 = arith.constant 2147483647 : i32
    %and3A_132 = vector.broadcast %and3A_131 : i32 to vector<512x256xi32>
    %and3A_133 = arith.andi %bitcast_convert_type3A_130, %and3A_132 : vector<512x256xi32>
    %get3A_134 = arith.constant 0 : index
    %get3A_135 = arith.constant 15 : index
    %get3A_136 = vector.load %arg2[%get3A_134, %get3A_135] : memref<512x20xf32, #tpu.memory_space<vmem>>, vector<512x1xf32>
    %mul3A_137 = vector.broadcast %get3A_136 : vector<512x1xf32> to vector<512x256xf32>
    %mul3A_138 = arith.mulf %transpose3A, %mul3A_137 : vector<512x256xf32>
    %bitcast_convert_type3A_139 = tpu.bitcast %mul3A_138 : vector<512x256xf32> -> vector<512x256xi32>
    %and3A_140 = arith.constant 2147483647 : i32
    %and3A_141 = vector.broadcast %and3A_140 : i32 to vector<512x256xi32>
    %and3A_142 = arith.andi %bitcast_convert_type3A_139, %and3A_141 : vector<512x256xi32>
    %get3A_143 = arith.constant 0 : index
    %get3A_144 = arith.constant 16 : index
    %get3A_145 = vector.load %arg2[%get3A_143, %get3A_144] : memref<512x20xf32, #tpu.memory_space<vmem>>, vector<512x1xf32>
    %mul3A_146 = vector.broadcast %get3A_145 : vector<512x1xf32> to vector<512x256xf32>
    %mul3A_147 = arith.mulf %transpose3A, %mul3A_146 : vector<512x256xf32>
    %bitcast_convert_type3A_148 = tpu.bitcast %mul3A_147 : vector<512x256xf32> -> vector<512x256xi32>
    %and3A_149 = arith.constant 2147483647 : i32
    %and3A_150 = vector.broadcast %and3A_149 : i32 to vector<512x256xi32>
    %and3A_151 = arith.andi %bitcast_convert_type3A_148, %and3A_150 : vector<512x256xi32>
    %get3A_152 = arith.constant 0 : index
    %get3A_153 = arith.constant 17 : index
    %get3A_154 = vector.load %arg2[%get3A_152, %get3A_153] : memref<512x20xf32, #tpu.memory_space<vmem>>, vector<512x1xf32>
    %mul3A_155 = vector.broadcast %get3A_154 : vector<512x1xf32> to vector<512x256xf32>
    %mul3A_156 = arith.mulf %transpose3A, %mul3A_155 : vector<512x256xf32>
    %bitcast_convert_type3A_157 = tpu.bitcast %mul3A_156 : vector<512x256xf32> -> vector<512x256xi32>
    %and3A_158 = arith.constant 2147483647 : i32
    %and3A_159 = vector.broadcast %and3A_158 : i32 to vector<512x256xi32>
    %and3A_160 = arith.andi %bitcast_convert_type3A_157, %and3A_159 : vector<512x256xi32>
    %get3A_161 = arith.constant 0 : index
    %get3A_162 = arith.constant 18 : index
    %get3A_163 = vector.load %arg2[%get3A_161, %get3A_162] : memref<512x20xf32, #tpu.memory_space<vmem>>, vector<512x1xf32>
    %mul3A_164 = vector.broadcast %get3A_163 : vector<512x1xf32> to vector<512x256xf32>
    %mul3A_165 = arith.mulf %transpose3A, %mul3A_164 : vector<512x256xf32>
    %bitcast_convert_type3A_166 = tpu.bitcast %mul3A_165 : vector<512x256xf32> -> vector<512x256xi32>
    %and3A_167 = arith.constant 2147483647 : i32
    %and3A_168 = vector.broadcast %and3A_167 : i32 to vector<512x256xi32>
    %and3A_169 = arith.andi %bitcast_convert_type3A_166, %and3A_168 : vector<512x256xi32>
    %get3A_170 = arith.constant 0 : index
    %get3A_171 = arith.constant 19 : index
    %get3A_172 = vector.load %arg2[%get3A_170, %get3A_171] : memref<512x20xf32, #tpu.memory_space<vmem>>, vector<512x1xf32>
    %mul3A_173 = vector.broadcast %get3A_172 : vector<512x1xf32> to vector<512x256xf32>
    %mul3A_174 = arith.mulf %transpose3A, %mul3A_173 : vector<512x256xf32>
    %bitcast_convert_type3A_175 = tpu.bitcast %mul3A_174 : vector<512x256xf32> -> vector<512x256xi32>
    %and3A_176 = arith.constant 2147483647 : i32
    %and3A_177 = vector.broadcast %and3A_176 : i32 to vector<512x256xi32>
    %and3A_178 = arith.andi %bitcast_convert_type3A_175, %and3A_177 : vector<512x256xi32>
    %broadcast_in_dim3A = arith.constant 0 : i32
    %broadcast_in_dim3A_179 = vector.broadcast %broadcast_in_dim3A : i32 to vector<20x256xi32>
    %scan3A = arith.constant 0 : i32
    %scan3A_180 = arith.constant 24 : i32
    %scan3A_181 = arith.addi %scan3A, %scan3A_180 : i32
    %scan3A_182 = arith.constant 1 : i32
    %scan3A_183 = scf.for %scan3A_406 = %scan3A to %scan3A_181 step %scan3A_182 iter_args(%scan3A_407 = %broadcast_in_dim3A_179) -> (vector<20x256xi32>)  : i32 {
      %sub3A = arith.constant 30 : i32
      %sub3A_408 = arith.subi %sub3A, %scan3A_406 : i32
      %shift_left3A = arith.constant 1 : i32
      %shift_left3A_409 = arith.shli %shift_left3A, %sub3A_408 : i32
      %slice3A_410 = vector.extract_strided_slice %scan3A_407 {offsets = [0, 0], sizes = [1, 256], strides = [1, 1]} : vector<20x256xi32> to vector<1x256xi32>
      %or3A = vector.broadcast %shift_left3A_409 : i32 to vector<1x256xi32>
      %or3A_411 = arith.ori %slice3A_410, %or3A : vector<1x256xi32>
      %ge3A_412 = vector.broadcast %or3A_411 : vector<1x256xi32> to vector<512x256xi32>
      %ge3A_413 = arith.cmpi sge, %and3A_7, %ge3A_412 : vector<512x256xi32>
      %jit3A_414 = arith.constant 1 : i32
      %jit3A_415 = arith.constant 0 : i32
      %broadcast_in_dim3A_416 = vector.broadcast %jit3A_414 : i32 to vector<512x256xi32>
      %broadcast_in_dim3A_417 = vector.broadcast %jit3A_415 : i32 to vector<512x256xi32>
      %select_n3A_418 = arith.select %ge3A_413, %broadcast_in_dim3A_416, %broadcast_in_dim3A_417 : vector<512x256xi1>, vector<512x256xi32>
      %reduce_sum3A_419 = arith.constant dense<0> : vector<256xi32>
      %reduce_sum3A_420 = vector.multi_reduction <add>, %select_n3A_418, %reduce_sum3A_419 [0] : vector<512x256xi32> to vector<256xi32>
      %broadcast_in_dim3A_421 = vector.shape_cast %reduce_sum3A_420 : vector<256xi32> to vector<1x256xi32>
      %slice3A_422 = vector.extract_strided_slice %scan3A_407 {offsets = [1, 0], sizes = [1, 256], strides = [1, 1]} : vector<20x256xi32> to vector<1x256xi32>
      %or3A_423 = vector.broadcast %shift_left3A_409 : i32 to vector<1x256xi32>
      %or3A_424 = arith.ori %slice3A_422, %or3A_423 : vector<1x256xi32>
      %ge3A_425 = vector.broadcast %or3A_424 : vector<1x256xi32> to vector<512x256xi32>
      %ge3A_426 = arith.cmpi sge, %and3A_16, %ge3A_425 : vector<512x256xi32>
      %jit3A_427 = arith.constant 1 : i32
      %jit3A_428 = arith.constant 0 : i32
      %broadcast_in_dim3A_429 = vector.broadcast %jit3A_427 : i32 to vector<512x256xi32>
      %broadcast_in_dim3A_430 = vector.broadcast %jit3A_428 : i32 to vector<512x256xi32>
      %select_n3A_431 = arith.select %ge3A_426, %broadcast_in_dim3A_429, %broadcast_in_dim3A_430 : vector<512x256xi1>, vector<512x256xi32>
      %reduce_sum3A_432 = arith.constant dense<0> : vector<256xi32>
      %reduce_sum3A_433 = vector.multi_reduction <add>, %select_n3A_431, %reduce_sum3A_432 [0] : vector<512x256xi32> to vector<256xi32>
      %broadcast_in_dim3A_434 = vector.shape_cast %reduce_sum3A_433 : vector<256xi32> to vector<1x256xi32>
      %slice3A_435 = vector.extract_strided_slice %scan3A_407 {offsets = [2, 0], sizes = [1, 256], strides = [1, 1]} : vector<20x256xi32> to vector<1x256xi32>
      %or3A_436 = vector.broadcast %shift_left3A_409 : i32 to vector<1x256xi32>
      %or3A_437 = arith.ori %slice3A_435, %or3A_436 : vector<1x256xi32>
      %ge3A_438 = vector.broadcast %or3A_437 : vector<1x256xi32> to vector<512x256xi32>
      %ge3A_439 = arith.cmpi sge, %and3A_25, %ge3A_438 : vector<512x256xi32>
      %jit3A_440 = arith.constant 1 : i32
      %jit3A_441 = arith.constant 0 : i32
      %broadcast_in_dim3A_442 = vector.broadcast %jit3A_440 : i32 to vector<512x256xi32>
      %broadcast_in_dim3A_443 = vector.broadcast %jit3A_441 : i32 to vector<512x256xi32>
      %select_n3A_444 = arith.select %ge3A_439, %broadcast_in_dim3A_442, %broadcast_in_dim3A_443 : vector<512x256xi1>, vector<512x256xi32>
      %reduce_sum3A_445 = arith.constant dense<0> : vector<256xi32>
      %reduce_sum3A_446 = vector.multi_reduction <add>, %select_n3A_444, %reduce_sum3A_445 [0] : vector<512x256xi32> to vector<256xi32>
      %broadcast_in_dim3A_447 = vector.shape_cast %reduce_sum3A_446 : vector<256xi32> to vector<1x256xi32>
      %slice3A_448 = vector.extract_strided_slice %scan3A_407 {offsets = [3, 0], sizes = [1, 256], strides = [1, 1]} : vector<20x256xi32> to vector<1x256xi32>
      %or3A_449 = vector.broadcast %shift_left3A_409 : i32 to vector<1x256xi32>
      %or3A_450 = arith.ori %slice3A_448, %or3A_449 : vector<1x256xi32>
      %ge3A_451 = vector.broadcast %or3A_450 : vector<1x256xi32> to vector<512x256xi32>
      %ge3A_452 = arith.cmpi sge, %and3A_34, %ge3A_451 : vector<512x256xi32>
      %jit3A_453 = arith.constant 1 : i32
      %jit3A_454 = arith.constant 0 : i32
      %broadcast_in_dim3A_455 = vector.broadcast %jit3A_453 : i32 to vector<512x256xi32>
      %broadcast_in_dim3A_456 = vector.broadcast %jit3A_454 : i32 to vector<512x256xi32>
      %select_n3A_457 = arith.select %ge3A_452, %broadcast_in_dim3A_455, %broadcast_in_dim3A_456 : vector<512x256xi1>, vector<512x256xi32>
      %reduce_sum3A_458 = arith.constant dense<0> : vector<256xi32>
      %reduce_sum3A_459 = vector.multi_reduction <add>, %select_n3A_457, %reduce_sum3A_458 [0] : vector<512x256xi32> to vector<256xi32>
      %broadcast_in_dim3A_460 = vector.shape_cast %reduce_sum3A_459 : vector<256xi32> to vector<1x256xi32>
      %slice3A_461 = vector.extract_strided_slice %scan3A_407 {offsets = [4, 0], sizes = [1, 256], strides = [1, 1]} : vector<20x256xi32> to vector<1x256xi32>
      %or3A_462 = vector.broadcast %shift_left3A_409 : i32 to vector<1x256xi32>
      %or3A_463 = arith.ori %slice3A_461, %or3A_462 : vector<1x256xi32>
      %ge3A_464 = vector.broadcast %or3A_463 : vector<1x256xi32> to vector<512x256xi32>
      %ge3A_465 = arith.cmpi sge, %and3A_43, %ge3A_464 : vector<512x256xi32>
      %jit3A_466 = arith.constant 1 : i32
      %jit3A_467 = arith.constant 0 : i32
      %broadcast_in_dim3A_468 = vector.broadcast %jit3A_466 : i32 to vector<512x256xi32>
      %broadcast_in_dim3A_469 = vector.broadcast %jit3A_467 : i32 to vector<512x256xi32>
      %select_n3A_470 = arith.select %ge3A_465, %broadcast_in_dim3A_468, %broadcast_in_dim3A_469 : vector<512x256xi1>, vector<512x256xi32>
      %reduce_sum3A_471 = arith.constant dense<0> : vector<256xi32>
      %reduce_sum3A_472 = vector.multi_reduction <add>, %select_n3A_470, %reduce_sum3A_471 [0] : vector<512x256xi32> to vector<256xi32>
      %broadcast_in_dim3A_473 = vector.shape_cast %reduce_sum3A_472 : vector<256xi32> to vector<1x256xi32>
      %slice3A_474 = vector.extract_strided_slice %scan3A_407 {offsets = [5, 0], sizes = [1, 256], strides = [1, 1]} : vector<20x256xi32> to vector<1x256xi32>
      %or3A_475 = vector.broadcast %shift_left3A_409 : i32 to vector<1x256xi32>
      %or3A_476 = arith.ori %slice3A_474, %or3A_475 : vector<1x256xi32>
      %ge3A_477 = vector.broadcast %or3A_476 : vector<1x256xi32> to vector<512x256xi32>
      %ge3A_478 = arith.cmpi sge, %and3A_52, %ge3A_477 : vector<512x256xi32>
      %jit3A_479 = arith.constant 1 : i32
      %jit3A_480 = arith.constant 0 : i32
      %broadcast_in_dim3A_481 = vector.broadcast %jit3A_479 : i32 to vector<512x256xi32>
      %broadcast_in_dim3A_482 = vector.broadcast %jit3A_480 : i32 to vector<512x256xi32>
      %select_n3A_483 = arith.select %ge3A_478, %broadcast_in_dim3A_481, %broadcast_in_dim3A_482 : vector<512x256xi1>, vector<512x256xi32>
      %reduce_sum3A_484 = arith.constant dense<0> : vector<256xi32>
      %reduce_sum3A_485 = vector.multi_reduction <add>, %select_n3A_483, %reduce_sum3A_484 [0] : vector<512x256xi32> to vector<256xi32>
      %broadcast_in_dim3A_486 = vector.shape_cast %reduce_sum3A_485 : vector<256xi32> to vector<1x256xi32>
      %slice3A_487 = vector.extract_strided_slice %scan3A_407 {offsets = [6, 0], sizes = [1, 256], strides = [1, 1]} : vector<20x256xi32> to vector<1x256xi32>
      %or3A_488 = vector.broadcast %shift_left3A_409 : i32 to vector<1x256xi32>
      %or3A_489 = arith.ori %slice3A_487, %or3A_488 : vector<1x256xi32>
      %ge3A_490 = vector.broadcast %or3A_489 : vector<1x256xi32> to vector<512x256xi32>
      %ge3A_491 = arith.cmpi sge, %and3A_61, %ge3A_490 : vector<512x256xi32>
      %jit3A_492 = arith.constant 1 : i32
      %jit3A_493 = arith.constant 0 : i32
      %broadcast_in_dim3A_494 = vector.broadcast %jit3A_492 : i32 to vector<512x256xi32>
      %broadcast_in_dim3A_495 = vector.broadcast %jit3A_493 : i32 to vector<512x256xi32>
      %select_n3A_496 = arith.select %ge3A_491, %broadcast_in_dim3A_494, %broadcast_in_dim3A_495 : vector<512x256xi1>, vector<512x256xi32>
      %reduce_sum3A_497 = arith.constant dense<0> : vector<256xi32>
      %reduce_sum3A_498 = vector.multi_reduction <add>, %select_n3A_496, %reduce_sum3A_497 [0] : vector<512x256xi32> to vector<256xi32>
      %broadcast_in_dim3A_499 = vector.shape_cast %reduce_sum3A_498 : vector<256xi32> to vector<1x256xi32>
      %slice3A_500 = vector.extract_strided_slice %scan3A_407 {offsets = [7, 0], sizes = [1, 256], strides = [1, 1]} : vector<20x256xi32> to vector<1x256xi32>
      %or3A_501 = vector.broadcast %shift_left3A_409 : i32 to vector<1x256xi32>
      %or3A_502 = arith.ori %slice3A_500, %or3A_501 : vector<1x256xi32>
      %ge3A_503 = vector.broadcast %or3A_502 : vector<1x256xi32> to vector<512x256xi32>
      %ge3A_504 = arith.cmpi sge, %and3A_70, %ge3A_503 : vector<512x256xi32>
      %jit3A_505 = arith.constant 1 : i32
      %jit3A_506 = arith.constant 0 : i32
      %broadcast_in_dim3A_507 = vector.broadcast %jit3A_505 : i32 to vector<512x256xi32>
      %broadcast_in_dim3A_508 = vector.broadcast %jit3A_506 : i32 to vector<512x256xi32>
      %select_n3A_509 = arith.select %ge3A_504, %broadcast_in_dim3A_507, %broadcast_in_dim3A_508 : vector<512x256xi1>, vector<512x256xi32>
      %reduce_sum3A_510 = arith.constant dense<0> : vector<256xi32>
      %reduce_sum3A_511 = vector.multi_reduction <add>, %select_n3A_509, %reduce_sum3A_510 [0] : vector<512x256xi32> to vector<256xi32>
      %broadcast_in_dim3A_512 = vector.shape_cast %reduce_sum3A_511 : vector<256xi32> to vector<1x256xi32>
      %slice3A_513 = vector.extract_strided_slice %scan3A_407 {offsets = [8, 0], sizes = [1, 256], strides = [1, 1]} : vector<20x256xi32> to vector<1x256xi32>
      %or3A_514 = vector.broadcast %shift_left3A_409 : i32 to vector<1x256xi32>
      %or3A_515 = arith.ori %slice3A_513, %or3A_514 : vector<1x256xi32>
      %ge3A_516 = vector.broadcast %or3A_515 : vector<1x256xi32> to vector<512x256xi32>
      %ge3A_517 = arith.cmpi sge, %and3A_79, %ge3A_516 : vector<512x256xi32>
      %jit3A_518 = arith.constant 1 : i32
      %jit3A_519 = arith.constant 0 : i32
      %broadcast_in_dim3A_520 = vector.broadcast %jit3A_518 : i32 to vector<512x256xi32>
      %broadcast_in_dim3A_521 = vector.broadcast %jit3A_519 : i32 to vector<512x256xi32>
      %select_n3A_522 = arith.select %ge3A_517, %broadcast_in_dim3A_520, %broadcast_in_dim3A_521 : vector<512x256xi1>, vector<512x256xi32>
      %reduce_sum3A_523 = arith.constant dense<0> : vector<256xi32>
      %reduce_sum3A_524 = vector.multi_reduction <add>, %select_n3A_522, %reduce_sum3A_523 [0] : vector<512x256xi32> to vector<256xi32>
      %broadcast_in_dim3A_525 = vector.shape_cast %reduce_sum3A_524 : vector<256xi32> to vector<1x256xi32>
      %slice3A_526 = vector.extract_strided_slice %scan3A_407 {offsets = [9, 0], sizes = [1, 256], strides = [1, 1]} : vector<20x256xi32> to vector<1x256xi32>
      %or3A_527 = vector.broadcast %shift_left3A_409 : i32 to vector<1x256xi32>
      %or3A_528 = arith.ori %slice3A_526, %or3A_527 : vector<1x256xi32>
      %ge3A_529 = vector.broadcast %or3A_528 : vector<1x256xi32> to vector<512x256xi32>
      %ge3A_530 = arith.cmpi sge, %and3A_88, %ge3A_529 : vector<512x256xi32>
      %jit3A_531 = arith.constant 1 : i32
      %jit3A_532 = arith.constant 0 : i32
      %broadcast_in_dim3A_533 = vector.broadcast %jit3A_531 : i32 to vector<512x256xi32>
      %broadcast_in_dim3A_534 = vector.broadcast %jit3A_532 : i32 to vector<512x256xi32>
      %select_n3A_535 = arith.select %ge3A_530, %broadcast_in_dim3A_533, %broadcast_in_dim3A_534 : vector<512x256xi1>, vector<512x256xi32>
      %reduce_sum3A_536 = arith.constant dense<0> : vector<256xi32>
      %reduce_sum3A_537 = vector.multi_reduction <add>, %select_n3A_535, %reduce_sum3A_536 [0] : vector<512x256xi32> to vector<256xi32>
      %broadcast_in_dim3A_538 = vector.shape_cast %reduce_sum3A_537 : vector<256xi32> to vector<1x256xi32>
      %slice3A_539 = vector.extract_strided_slice %scan3A_407 {offsets = [10, 0], sizes = [1, 256], strides = [1, 1]} : vector<20x256xi32> to vector<1x256xi32>
      %or3A_540 = vector.broadcast %shift_left3A_409 : i32 to vector<1x256xi32>
      %or3A_541 = arith.ori %slice3A_539, %or3A_540 : vector<1x256xi32>
      %ge3A_542 = vector.broadcast %or3A_541 : vector<1x256xi32> to vector<512x256xi32>
      %ge3A_543 = arith.cmpi sge, %and3A_97, %ge3A_542 : vector<512x256xi32>
      %jit3A_544 = arith.constant 1 : i32
      %jit3A_545 = arith.constant 0 : i32
      %broadcast_in_dim3A_546 = vector.broadcast %jit3A_544 : i32 to vector<512x256xi32>
      %broadcast_in_dim3A_547 = vector.broadcast %jit3A_545 : i32 to vector<512x256xi32>
      %select_n3A_548 = arith.select %ge3A_543, %broadcast_in_dim3A_546, %broadcast_in_dim3A_547 : vector<512x256xi1>, vector<512x256xi32>
      %reduce_sum3A_549 = arith.constant dense<0> : vector<256xi32>
      %reduce_sum3A_550 = vector.multi_reduction <add>, %select_n3A_548, %reduce_sum3A_549 [0] : vector<512x256xi32> to vector<256xi32>
      %broadcast_in_dim3A_551 = vector.shape_cast %reduce_sum3A_550 : vector<256xi32> to vector<1x256xi32>
      %slice3A_552 = vector.extract_strided_slice %scan3A_407 {offsets = [11, 0], sizes = [1, 256], strides = [1, 1]} : vector<20x256xi32> to vector<1x256xi32>
      %or3A_553 = vector.broadcast %shift_left3A_409 : i32 to vector<1x256xi32>
      %or3A_554 = arith.ori %slice3A_552, %or3A_553 : vector<1x256xi32>
      %ge3A_555 = vector.broadcast %or3A_554 : vector<1x256xi32> to vector<512x256xi32>
      %ge3A_556 = arith.cmpi sge, %and3A_106, %ge3A_555 : vector<512x256xi32>
      %jit3A_557 = arith.constant 1 : i32
      %jit3A_558 = arith.constant 0 : i32
      %broadcast_in_dim3A_559 = vector.broadcast %jit3A_557 : i32 to vector<512x256xi32>
      %broadcast_in_dim3A_560 = vector.broadcast %jit3A_558 : i32 to vector<512x256xi32>
      %select_n3A_561 = arith.select %ge3A_556, %broadcast_in_dim3A_559, %broadcast_in_dim3A_560 : vector<512x256xi1>, vector<512x256xi32>
      %reduce_sum3A_562 = arith.constant dense<0> : vector<256xi32>
      %reduce_sum3A_563 = vector.multi_reduction <add>, %select_n3A_561, %reduce_sum3A_562 [0] : vector<512x256xi32> to vector<256xi32>
      %broadcast_in_dim3A_564 = vector.shape_cast %reduce_sum3A_563 : vector<256xi32> to vector<1x256xi32>
      %slice3A_565 = vector.extract_strided_slice %scan3A_407 {offsets = [12, 0], sizes = [1, 256], strides = [1, 1]} : vector<20x256xi32> to vector<1x256xi32>
      %or3A_566 = vector.broadcast %shift_left3A_409 : i32 to vector<1x256xi32>
      %or3A_567 = arith.ori %slice3A_565, %or3A_566 : vector<1x256xi32>
      %ge3A_568 = vector.broadcast %or3A_567 : vector<1x256xi32> to vector<512x256xi32>
      %ge3A_569 = arith.cmpi sge, %and3A_115, %ge3A_568 : vector<512x256xi32>
      %jit3A_570 = arith.constant 1 : i32
      %jit3A_571 = arith.constant 0 : i32
      %broadcast_in_dim3A_572 = vector.broadcast %jit3A_570 : i32 to vector<512x256xi32>
      %broadcast_in_dim3A_573 = vector.broadcast %jit3A_571 : i32 to vector<512x256xi32>
      %select_n3A_574 = arith.select %ge3A_569, %broadcast_in_dim3A_572, %broadcast_in_dim3A_573 : vector<512x256xi1>, vector<512x256xi32>
      %reduce_sum3A_575 = arith.constant dense<0> : vector<256xi32>
      %reduce_sum3A_576 = vector.multi_reduction <add>, %select_n3A_574, %reduce_sum3A_575 [0] : vector<512x256xi32> to vector<256xi32>
      %broadcast_in_dim3A_577 = vector.shape_cast %reduce_sum3A_576 : vector<256xi32> to vector<1x256xi32>
      %slice3A_578 = vector.extract_strided_slice %scan3A_407 {offsets = [13, 0], sizes = [1, 256], strides = [1, 1]} : vector<20x256xi32> to vector<1x256xi32>
      %or3A_579 = vector.broadcast %shift_left3A_409 : i32 to vector<1x256xi32>
      %or3A_580 = arith.ori %slice3A_578, %or3A_579 : vector<1x256xi32>
      %ge3A_581 = vector.broadcast %or3A_580 : vector<1x256xi32> to vector<512x256xi32>
      %ge3A_582 = arith.cmpi sge, %and3A_124, %ge3A_581 : vector<512x256xi32>
      %jit3A_583 = arith.constant 1 : i32
      %jit3A_584 = arith.constant 0 : i32
      %broadcast_in_dim3A_585 = vector.broadcast %jit3A_583 : i32 to vector<512x256xi32>
      %broadcast_in_dim3A_586 = vector.broadcast %jit3A_584 : i32 to vector<512x256xi32>
      %select_n3A_587 = arith.select %ge3A_582, %broadcast_in_dim3A_585, %broadcast_in_dim3A_586 : vector<512x256xi1>, vector<512x256xi32>
      %reduce_sum3A_588 = arith.constant dense<0> : vector<256xi32>
      %reduce_sum3A_589 = vector.multi_reduction <add>, %select_n3A_587, %reduce_sum3A_588 [0] : vector<512x256xi32> to vector<256xi32>
      %broadcast_in_dim3A_590 = vector.shape_cast %reduce_sum3A_589 : vector<256xi32> to vector<1x256xi32>
      %slice3A_591 = vector.extract_strided_slice %scan3A_407 {offsets = [14, 0], sizes = [1, 256], strides = [1, 1]} : vector<20x256xi32> to vector<1x256xi32>
      %or3A_592 = vector.broadcast %shift_left3A_409 : i32 to vector<1x256xi32>
      %or3A_593 = arith.ori %slice3A_591, %or3A_592 : vector<1x256xi32>
      %ge3A_594 = vector.broadcast %or3A_593 : vector<1x256xi32> to vector<512x256xi32>
      %ge3A_595 = arith.cmpi sge, %and3A_133, %ge3A_594 : vector<512x256xi32>
      %jit3A_596 = arith.constant 1 : i32
      %jit3A_597 = arith.constant 0 : i32
      %broadcast_in_dim3A_598 = vector.broadcast %jit3A_596 : i32 to vector<512x256xi32>
      %broadcast_in_dim3A_599 = vector.broadcast %jit3A_597 : i32 to vector<512x256xi32>
      %select_n3A_600 = arith.select %ge3A_595, %broadcast_in_dim3A_598, %broadcast_in_dim3A_599 : vector<512x256xi1>, vector<512x256xi32>
      %reduce_sum3A_601 = arith.constant dense<0> : vector<256xi32>
      %reduce_sum3A_602 = vector.multi_reduction <add>, %select_n3A_600, %reduce_sum3A_601 [0] : vector<512x256xi32> to vector<256xi32>
      %broadcast_in_dim3A_603 = vector.shape_cast %reduce_sum3A_602 : vector<256xi32> to vector<1x256xi32>
      %slice3A_604 = vector.extract_strided_slice %scan3A_407 {offsets = [15, 0], sizes = [1, 256], strides = [1, 1]} : vector<20x256xi32> to vector<1x256xi32>
      %or3A_605 = vector.broadcast %shift_left3A_409 : i32 to vector<1x256xi32>
      %or3A_606 = arith.ori %slice3A_604, %or3A_605 : vector<1x256xi32>
      %ge3A_607 = vector.broadcast %or3A_606 : vector<1x256xi32> to vector<512x256xi32>
      %ge3A_608 = arith.cmpi sge, %and3A_142, %ge3A_607 : vector<512x256xi32>
      %jit3A_609 = arith.constant 1 : i32
      %jit3A_610 = arith.constant 0 : i32
      %broadcast_in_dim3A_611 = vector.broadcast %jit3A_609 : i32 to vector<512x256xi32>
      %broadcast_in_dim3A_612 = vector.broadcast %jit3A_610 : i32 to vector<512x256xi32>
      %select_n3A_613 = arith.select %ge3A_608, %broadcast_in_dim3A_611, %broadcast_in_dim3A_612 : vector<512x256xi1>, vector<512x256xi32>
      %reduce_sum3A_614 = arith.constant dense<0> : vector<256xi32>
      %reduce_sum3A_615 = vector.multi_reduction <add>, %select_n3A_613, %reduce_sum3A_614 [0] : vector<512x256xi32> to vector<256xi32>
      %broadcast_in_dim3A_616 = vector.shape_cast %reduce_sum3A_615 : vector<256xi32> to vector<1x256xi32>
      %slice3A_617 = vector.extract_strided_slice %scan3A_407 {offsets = [16, 0], sizes = [1, 256], strides = [1, 1]} : vector<20x256xi32> to vector<1x256xi32>
      %or3A_618 = vector.broadcast %shift_left3A_409 : i32 to vector<1x256xi32>
      %or3A_619 = arith.ori %slice3A_617, %or3A_618 : vector<1x256xi32>
      %ge3A_620 = vector.broadcast %or3A_619 : vector<1x256xi32> to vector<512x256xi32>
      %ge3A_621 = arith.cmpi sge, %and3A_151, %ge3A_620 : vector<512x256xi32>
      %jit3A_622 = arith.constant 1 : i32
      %jit3A_623 = arith.constant 0 : i32
      %broadcast_in_dim3A_624 = vector.broadcast %jit3A_622 : i32 to vector<512x256xi32>
      %broadcast_in_dim3A_625 = vector.broadcast %jit3A_623 : i32 to vector<512x256xi32>
      %select_n3A_626 = arith.select %ge3A_621, %broadcast_in_dim3A_624, %broadcast_in_dim3A_625 : vector<512x256xi1>, vector<512x256xi32>
      %reduce_sum3A_627 = arith.constant dense<0> : vector<256xi32>
      %reduce_sum3A_628 = vector.multi_reduction <add>, %select_n3A_626, %reduce_sum3A_627 [0] : vector<512x256xi32> to vector<256xi32>
      %broadcast_in_dim3A_629 = vector.shape_cast %reduce_sum3A_628 : vector<256xi32> to vector<1x256xi32>
      %slice3A_630 = vector.extract_strided_slice %scan3A_407 {offsets = [17, 0], sizes = [1, 256], strides = [1, 1]} : vector<20x256xi32> to vector<1x256xi32>
      %or3A_631 = vector.broadcast %shift_left3A_409 : i32 to vector<1x256xi32>
      %or3A_632 = arith.ori %slice3A_630, %or3A_631 : vector<1x256xi32>
      %ge3A_633 = vector.broadcast %or3A_632 : vector<1x256xi32> to vector<512x256xi32>
      %ge3A_634 = arith.cmpi sge, %and3A_160, %ge3A_633 : vector<512x256xi32>
      %jit3A_635 = arith.constant 1 : i32
      %jit3A_636 = arith.constant 0 : i32
      %broadcast_in_dim3A_637 = vector.broadcast %jit3A_635 : i32 to vector<512x256xi32>
      %broadcast_in_dim3A_638 = vector.broadcast %jit3A_636 : i32 to vector<512x256xi32>
      %select_n3A_639 = arith.select %ge3A_634, %broadcast_in_dim3A_637, %broadcast_in_dim3A_638 : vector<512x256xi1>, vector<512x256xi32>
      %reduce_sum3A_640 = arith.constant dense<0> : vector<256xi32>
      %reduce_sum3A_641 = vector.multi_reduction <add>, %select_n3A_639, %reduce_sum3A_640 [0] : vector<512x256xi32> to vector<256xi32>
      %broadcast_in_dim3A_642 = vector.shape_cast %reduce_sum3A_641 : vector<256xi32> to vector<1x256xi32>
      %slice3A_643 = vector.extract_strided_slice %scan3A_407 {offsets = [18, 0], sizes = [1, 256], strides = [1, 1]} : vector<20x256xi32> to vector<1x256xi32>
      %or3A_644 = vector.broadcast %shift_left3A_409 : i32 to vector<1x256xi32>
      %or3A_645 = arith.ori %slice3A_643, %or3A_644 : vector<1x256xi32>
      %ge3A_646 = vector.broadcast %or3A_645 : vector<1x256xi32> to vector<512x256xi32>
      %ge3A_647 = arith.cmpi sge, %and3A_169, %ge3A_646 : vector<512x256xi32>
      %jit3A_648 = arith.constant 1 : i32
      %jit3A_649 = arith.constant 0 : i32
      %broadcast_in_dim3A_650 = vector.broadcast %jit3A_648 : i32 to vector<512x256xi32>
      %broadcast_in_dim3A_651 = vector.broadcast %jit3A_649 : i32 to vector<512x256xi32>
      %select_n3A_652 = arith.select %ge3A_647, %broadcast_in_dim3A_650, %broadcast_in_dim3A_651 : vector<512x256xi1>, vector<512x256xi32>
      %reduce_sum3A_653 = arith.constant dense<0> : vector<256xi32>
      %reduce_sum3A_654 = vector.multi_reduction <add>, %select_n3A_652, %reduce_sum3A_653 [0] : vector<512x256xi32> to vector<256xi32>
      %broadcast_in_dim3A_655 = vector.shape_cast %reduce_sum3A_654 : vector<256xi32> to vector<1x256xi32>
      %slice3A_656 = vector.extract_strided_slice %scan3A_407 {offsets = [19, 0], sizes = [1, 256], strides = [1, 1]} : vector<20x256xi32> to vector<1x256xi32>
      %or3A_657 = vector.broadcast %shift_left3A_409 : i32 to vector<1x256xi32>
      %or3A_658 = arith.ori %slice3A_656, %or3A_657 : vector<1x256xi32>
      %ge3A_659 = vector.broadcast %or3A_658 : vector<1x256xi32> to vector<512x256xi32>
      %ge3A_660 = arith.cmpi sge, %and3A_178, %ge3A_659 : vector<512x256xi32>
      %jit3A_661 = arith.constant 1 : i32
      %jit3A_662 = arith.constant 0 : i32
      %broadcast_in_dim3A_663 = vector.broadcast %jit3A_661 : i32 to vector<512x256xi32>
      %broadcast_in_dim3A_664 = vector.broadcast %jit3A_662 : i32 to vector<512x256xi32>
      %select_n3A_665 = arith.select %ge3A_660, %broadcast_in_dim3A_663, %broadcast_in_dim3A_664 : vector<512x256xi1>, vector<512x256xi32>
      %reduce_sum3A_666 = arith.constant dense<0> : vector<256xi32>
      %reduce_sum3A_667 = vector.multi_reduction <add>, %select_n3A_665, %reduce_sum3A_666 [0] : vector<512x256xi32> to vector<256xi32>
      %broadcast_in_dim3A_668 = vector.shape_cast %reduce_sum3A_667 : vector<256xi32> to vector<1x256xi32>
      %concatenate3A_669 = tpu.concatenate %broadcast_in_dim3A_421, %broadcast_in_dim3A_434, %broadcast_in_dim3A_447, %broadcast_in_dim3A_460, %broadcast_in_dim3A_473, %broadcast_in_dim3A_486, %broadcast_in_dim3A_499, %broadcast_in_dim3A_512, %broadcast_in_dim3A_525, %broadcast_in_dim3A_538, %broadcast_in_dim3A_551, %broadcast_in_dim3A_564, %broadcast_in_dim3A_577, %broadcast_in_dim3A_590, %broadcast_in_dim3A_603, %broadcast_in_dim3A_616, %broadcast_in_dim3A_629, %broadcast_in_dim3A_642, %broadcast_in_dim3A_655, %broadcast_in_dim3A_668 in 0 : vector<1x256xi32>, vector<1x256xi32>, vector<1x256xi32>, vector<1x256xi32>, vector<1x256xi32>, vector<1x256xi32>, vector<1x256xi32>, vector<1x256xi32>, vector<1x256xi32>, vector<1x256xi32>, vector<1x256xi32>, vector<1x256xi32>, vector<1x256xi32>, vector<1x256xi32>, vector<1x256xi32>, vector<1x256xi32>, vector<1x256xi32>, vector<1x256xi32>, vector<1x256xi32>, vector<1x256xi32> -> vector<20x256xi32>
      %ge3A_670 = arith.constant 51 : i32
      %ge3A_671 = vector.broadcast %ge3A_670 : i32 to vector<20x256xi32>
      %ge3A_672 = arith.cmpi sge, %concatenate3A_669, %ge3A_671 : vector<20x256xi32>
      %or3A_673 = vector.broadcast %shift_left3A_409 : i32 to vector<20x256xi32>
      %or3A_674 = arith.ori %scan3A_407, %or3A_673 : vector<20x256xi32>
      %select_n3A_675 = arith.select %ge3A_672, %or3A_674, %scan3A_407 : vector<20x256xi1>, vector<20x256xi32>
      scf.yield %select_n3A_675 : vector<20x256xi32>
    }
    %scan3A_184 = arith.constant 24 : i32
    %slice3A = vector.extract_strided_slice %scan3A_183 {offsets = [0, 0], sizes = [1, 256], strides = [1, 1]} : vector<20x256xi32> to vector<1x256xi32>
    %ge3A = vector.broadcast %slice3A : vector<1x256xi32> to vector<512x256xi32>
    %ge3A_185 = arith.cmpi sge, %and3A_7, %ge3A : vector<512x256xi32>
    %mul3A_186 = arith.mulf %mul3A_5, %mul3A_5 : vector<512x256xf32>
    %jit3A = arith.constant 0.000000e+00 : f32
    %broadcast_in_dim3A_187 = vector.broadcast %jit3A : f32 to vector<512x256xf32>
    %select_n3A = arith.select %ge3A_185, %mul3A_186, %broadcast_in_dim3A_187 : vector<512x256xi1>, vector<512x256xf32>
    %reduce_sum3A = arith.constant dense<0.000000e+00> : vector<256xf32>
    %reduce_sum3A_188 = vector.multi_reduction <add>, %select_n3A, %reduce_sum3A [0] : vector<512x256xf32> to vector<256xf32>
    %broadcast_in_dim3A_189 = vector.shape_cast %reduce_sum3A_188 : vector<256xf32> to vector<1x256xf32>
    %sqrt3A = math.sqrt %broadcast_in_dim3A_189 : vector<1x256xf32>
    %slice3A_190 = vector.extract_strided_slice %scan3A_183 {offsets = [1, 0], sizes = [1, 256], strides = [1, 1]} : vector<20x256xi32> to vector<1x256xi32>
    %ge3A_191 = vector.broadcast %slice3A_190 : vector<1x256xi32> to vector<512x256xi32>
    %ge3A_192 = arith.cmpi sge, %and3A_16, %ge3A_191 : vector<512x256xi32>
    %mul3A_193 = arith.mulf %mul3A_12, %mul3A_12 : vector<512x256xf32>
    %jit3A_194 = arith.constant 0.000000e+00 : f32
    %broadcast_in_dim3A_195 = vector.broadcast %jit3A_194 : f32 to vector<512x256xf32>
    %select_n3A_196 = arith.select %ge3A_192, %mul3A_193, %broadcast_in_dim3A_195 : vector<512x256xi1>, vector<512x256xf32>
    %reduce_sum3A_197 = arith.constant dense<0.000000e+00> : vector<256xf32>
    %reduce_sum3A_198 = vector.multi_reduction <add>, %select_n3A_196, %reduce_sum3A_197 [0] : vector<512x256xf32> to vector<256xf32>
    %broadcast_in_dim3A_199 = vector.shape_cast %reduce_sum3A_198 : vector<256xf32> to vector<1x256xf32>
    %sqrt3A_200 = math.sqrt %broadcast_in_dim3A_199 : vector<1x256xf32>
    %slice3A_201 = vector.extract_strided_slice %scan3A_183 {offsets = [2, 0], sizes = [1, 256], strides = [1, 1]} : vector<20x256xi32> to vector<1x256xi32>
    %ge3A_202 = vector.broadcast %slice3A_201 : vector<1x256xi32> to vector<512x256xi32>
    %ge3A_203 = arith.cmpi sge, %and3A_25, %ge3A_202 : vector<512x256xi32>
    %mul3A_204 = arith.mulf %mul3A_21, %mul3A_21 : vector<512x256xf32>
    %jit3A_205 = arith.constant 0.000000e+00 : f32
    %broadcast_in_dim3A_206 = vector.broadcast %jit3A_205 : f32 to vector<512x256xf32>
    %select_n3A_207 = arith.select %ge3A_203, %mul3A_204, %broadcast_in_dim3A_206 : vector<512x256xi1>, vector<512x256xf32>
    %reduce_sum3A_208 = arith.constant dense<0.000000e+00> : vector<256xf32>
    %reduce_sum3A_209 = vector.multi_reduction <add>, %select_n3A_207, %reduce_sum3A_208 [0] : vector<512x256xf32> to vector<256xf32>
    %broadcast_in_dim3A_210 = vector.shape_cast %reduce_sum3A_209 : vector<256xf32> to vector<1x256xf32>
    %sqrt3A_211 = math.sqrt %broadcast_in_dim3A_210 : vector<1x256xf32>
    %slice3A_212 = vector.extract_strided_slice %scan3A_183 {offsets = [3, 0], sizes = [1, 256], strides = [1, 1]} : vector<20x256xi32> to vector<1x256xi32>
    %ge3A_213 = vector.broadcast %slice3A_212 : vector<1x256xi32> to vector<512x256xi32>
    %ge3A_214 = arith.cmpi sge, %and3A_34, %ge3A_213 : vector<512x256xi32>
    %mul3A_215 = arith.mulf %mul3A_30, %mul3A_30 : vector<512x256xf32>
    %jit3A_216 = arith.constant 0.000000e+00 : f32
    %broadcast_in_dim3A_217 = vector.broadcast %jit3A_216 : f32 to vector<512x256xf32>
    %select_n3A_218 = arith.select %ge3A_214, %mul3A_215, %broadcast_in_dim3A_217 : vector<512x256xi1>, vector<512x256xf32>
    %reduce_sum3A_219 = arith.constant dense<0.000000e+00> : vector<256xf32>
    %reduce_sum3A_220 = vector.multi_reduction <add>, %select_n3A_218, %reduce_sum3A_219 [0] : vector<512x256xf32> to vector<256xf32>
    %broadcast_in_dim3A_221 = vector.shape_cast %reduce_sum3A_220 : vector<256xf32> to vector<1x256xf32>
    %sqrt3A_222 = math.sqrt %broadcast_in_dim3A_221 : vector<1x256xf32>
    %slice3A_223 = vector.extract_strided_slice %scan3A_183 {offsets = [4, 0], sizes = [1, 256], strides = [1, 1]} : vector<20x256xi32> to vector<1x256xi32>
    %ge3A_224 = vector.broadcast %slice3A_223 : vector<1x256xi32> to vector<512x256xi32>
    %ge3A_225 = arith.cmpi sge, %and3A_43, %ge3A_224 : vector<512x256xi32>
    %mul3A_226 = arith.mulf %mul3A_39, %mul3A_39 : vector<512x256xf32>
    %jit3A_227 = arith.constant 0.000000e+00 : f32
    %broadcast_in_dim3A_228 = vector.broadcast %jit3A_227 : f32 to vector<512x256xf32>
    %select_n3A_229 = arith.select %ge3A_225, %mul3A_226, %broadcast_in_dim3A_228 : vector<512x256xi1>, vector<512x256xf32>
    %reduce_sum3A_230 = arith.constant dense<0.000000e+00> : vector<256xf32>
    %reduce_sum3A_231 = vector.multi_reduction <add>, %select_n3A_229, %reduce_sum3A_230 [0] : vector<512x256xf32> to vector<256xf32>
    %broadcast_in_dim3A_232 = vector.shape_cast %reduce_sum3A_231 : vector<256xf32> to vector<1x256xf32>
    %sqrt3A_233 = math.sqrt %broadcast_in_dim3A_232 : vector<1x256xf32>
    %slice3A_234 = vector.extract_strided_slice %scan3A_183 {offsets = [5, 0], sizes = [1, 256], strides = [1, 1]} : vector<20x256xi32> to vector<1x256xi32>
    %ge3A_235 = vector.broadcast %slice3A_234 : vector<1x256xi32> to vector<512x256xi32>
    %ge3A_236 = arith.cmpi sge, %and3A_52, %ge3A_235 : vector<512x256xi32>
    %mul3A_237 = arith.mulf %mul3A_48, %mul3A_48 : vector<512x256xf32>
    %jit3A_238 = arith.constant 0.000000e+00 : f32
    %broadcast_in_dim3A_239 = vector.broadcast %jit3A_238 : f32 to vector<512x256xf32>
    %select_n3A_240 = arith.select %ge3A_236, %mul3A_237, %broadcast_in_dim3A_239 : vector<512x256xi1>, vector<512x256xf32>
    %reduce_sum3A_241 = arith.constant dense<0.000000e+00> : vector<256xf32>
    %reduce_sum3A_242 = vector.multi_reduction <add>, %select_n3A_240, %reduce_sum3A_241 [0] : vector<512x256xf32> to vector<256xf32>
    %broadcast_in_dim3A_243 = vector.shape_cast %reduce_sum3A_242 : vector<256xf32> to vector<1x256xf32>
    %sqrt3A_244 = math.sqrt %broadcast_in_dim3A_243 : vector<1x256xf32>
    %slice3A_245 = vector.extract_strided_slice %scan3A_183 {offsets = [6, 0], sizes = [1, 256], strides = [1, 1]} : vector<20x256xi32> to vector<1x256xi32>
    %ge3A_246 = vector.broadcast %slice3A_245 : vector<1x256xi32> to vector<512x256xi32>
    %ge3A_247 = arith.cmpi sge, %and3A_61, %ge3A_246 : vector<512x256xi32>
    %mul3A_248 = arith.mulf %mul3A_57, %mul3A_57 : vector<512x256xf32>
    %jit3A_249 = arith.constant 0.000000e+00 : f32
    %broadcast_in_dim3A_250 = vector.broadcast %jit3A_249 : f32 to vector<512x256xf32>
    %select_n3A_251 = arith.select %ge3A_247, %mul3A_248, %broadcast_in_dim3A_250 : vector<512x256xi1>, vector<512x256xf32>
    %reduce_sum3A_252 = arith.constant dense<0.000000e+00> : vector<256xf32>
    %reduce_sum3A_253 = vector.multi_reduction <add>, %select_n3A_251, %reduce_sum3A_252 [0] : vector<512x256xf32> to vector<256xf32>
    %broadcast_in_dim3A_254 = vector.shape_cast %reduce_sum3A_253 : vector<256xf32> to vector<1x256xf32>
    %sqrt3A_255 = math.sqrt %broadcast_in_dim3A_254 : vector<1x256xf32>
    %slice3A_256 = vector.extract_strided_slice %scan3A_183 {offsets = [7, 0], sizes = [1, 256], strides = [1, 1]} : vector<20x256xi32> to vector<1x256xi32>
    %ge3A_257 = vector.broadcast %slice3A_256 : vector<1x256xi32> to vector<512x256xi32>
    %ge3A_258 = arith.cmpi sge, %and3A_70, %ge3A_257 : vector<512x256xi32>
    %mul3A_259 = arith.mulf %mul3A_66, %mul3A_66 : vector<512x256xf32>
    %jit3A_260 = arith.constant 0.000000e+00 : f32
    %broadcast_in_dim3A_261 = vector.broadcast %jit3A_260 : f32 to vector<512x256xf32>
    %select_n3A_262 = arith.select %ge3A_258, %mul3A_259, %broadcast_in_dim3A_261 : vector<512x256xi1>, vector<512x256xf32>
    %reduce_sum3A_263 = arith.constant dense<0.000000e+00> : vector<256xf32>
    %reduce_sum3A_264 = vector.multi_reduction <add>, %select_n3A_262, %reduce_sum3A_263 [0] : vector<512x256xf32> to vector<256xf32>
    %broadcast_in_dim3A_265 = vector.shape_cast %reduce_sum3A_264 : vector<256xf32> to vector<1x256xf32>
    %sqrt3A_266 = math.sqrt %broadcast_in_dim3A_265 : vector<1x256xf32>
    %slice3A_267 = vector.extract_strided_slice %scan3A_183 {offsets = [8, 0], sizes = [1, 256], strides = [1, 1]} : vector<20x256xi32> to vector<1x256xi32>
    %ge3A_268 = vector.broadcast %slice3A_267 : vector<1x256xi32> to vector<512x256xi32>
    %ge3A_269 = arith.cmpi sge, %and3A_79, %ge3A_268 : vector<512x256xi32>
    %mul3A_270 = arith.mulf %mul3A_75, %mul3A_75 : vector<512x256xf32>
    %jit3A_271 = arith.constant 0.000000e+00 : f32
    %broadcast_in_dim3A_272 = vector.broadcast %jit3A_271 : f32 to vector<512x256xf32>
    %select_n3A_273 = arith.select %ge3A_269, %mul3A_270, %broadcast_in_dim3A_272 : vector<512x256xi1>, vector<512x256xf32>
    %reduce_sum3A_274 = arith.constant dense<0.000000e+00> : vector<256xf32>
    %reduce_sum3A_275 = vector.multi_reduction <add>, %select_n3A_273, %reduce_sum3A_274 [0] : vector<512x256xf32> to vector<256xf32>
    %broadcast_in_dim3A_276 = vector.shape_cast %reduce_sum3A_275 : vector<256xf32> to vector<1x256xf32>
    %sqrt3A_277 = math.sqrt %broadcast_in_dim3A_276 : vector<1x256xf32>
    %slice3A_278 = vector.extract_strided_slice %scan3A_183 {offsets = [9, 0], sizes = [1, 256], strides = [1, 1]} : vector<20x256xi32> to vector<1x256xi32>
    %ge3A_279 = vector.broadcast %slice3A_278 : vector<1x256xi32> to vector<512x256xi32>
    %ge3A_280 = arith.cmpi sge, %and3A_88, %ge3A_279 : vector<512x256xi32>
    %mul3A_281 = arith.mulf %mul3A_84, %mul3A_84 : vector<512x256xf32>
    %jit3A_282 = arith.constant 0.000000e+00 : f32
    %broadcast_in_dim3A_283 = vector.broadcast %jit3A_282 : f32 to vector<512x256xf32>
    %select_n3A_284 = arith.select %ge3A_280, %mul3A_281, %broadcast_in_dim3A_283 : vector<512x256xi1>, vector<512x256xf32>
    %reduce_sum3A_285 = arith.constant dense<0.000000e+00> : vector<256xf32>
    %reduce_sum3A_286 = vector.multi_reduction <add>, %select_n3A_284, %reduce_sum3A_285 [0] : vector<512x256xf32> to vector<256xf32>
    %broadcast_in_dim3A_287 = vector.shape_cast %reduce_sum3A_286 : vector<256xf32> to vector<1x256xf32>
    %sqrt3A_288 = math.sqrt %broadcast_in_dim3A_287 : vector<1x256xf32>
    %slice3A_289 = vector.extract_strided_slice %scan3A_183 {offsets = [10, 0], sizes = [1, 256], strides = [1, 1]} : vector<20x256xi32> to vector<1x256xi32>
    %ge3A_290 = vector.broadcast %slice3A_289 : vector<1x256xi32> to vector<512x256xi32>
    %ge3A_291 = arith.cmpi sge, %and3A_97, %ge3A_290 : vector<512x256xi32>
    %mul3A_292 = arith.mulf %mul3A_93, %mul3A_93 : vector<512x256xf32>
    %jit3A_293 = arith.constant 0.000000e+00 : f32
    %broadcast_in_dim3A_294 = vector.broadcast %jit3A_293 : f32 to vector<512x256xf32>
    %select_n3A_295 = arith.select %ge3A_291, %mul3A_292, %broadcast_in_dim3A_294 : vector<512x256xi1>, vector<512x256xf32>
    %reduce_sum3A_296 = arith.constant dense<0.000000e+00> : vector<256xf32>
    %reduce_sum3A_297 = vector.multi_reduction <add>, %select_n3A_295, %reduce_sum3A_296 [0] : vector<512x256xf32> to vector<256xf32>
    %broadcast_in_dim3A_298 = vector.shape_cast %reduce_sum3A_297 : vector<256xf32> to vector<1x256xf32>
    %sqrt3A_299 = math.sqrt %broadcast_in_dim3A_298 : vector<1x256xf32>
    %slice3A_300 = vector.extract_strided_slice %scan3A_183 {offsets = [11, 0], sizes = [1, 256], strides = [1, 1]} : vector<20x256xi32> to vector<1x256xi32>
    %ge3A_301 = vector.broadcast %slice3A_300 : vector<1x256xi32> to vector<512x256xi32>
    %ge3A_302 = arith.cmpi sge, %and3A_106, %ge3A_301 : vector<512x256xi32>
    %mul3A_303 = arith.mulf %mul3A_102, %mul3A_102 : vector<512x256xf32>
    %jit3A_304 = arith.constant 0.000000e+00 : f32
    %broadcast_in_dim3A_305 = vector.broadcast %jit3A_304 : f32 to vector<512x256xf32>
    %select_n3A_306 = arith.select %ge3A_302, %mul3A_303, %broadcast_in_dim3A_305 : vector<512x256xi1>, vector<512x256xf32>
    %reduce_sum3A_307 = arith.constant dense<0.000000e+00> : vector<256xf32>
    %reduce_sum3A_308 = vector.multi_reduction <add>, %select_n3A_306, %reduce_sum3A_307 [0] : vector<512x256xf32> to vector<256xf32>
    %broadcast_in_dim3A_309 = vector.shape_cast %reduce_sum3A_308 : vector<256xf32> to vector<1x256xf32>
    %sqrt3A_310 = math.sqrt %broadcast_in_dim3A_309 : vector<1x256xf32>
    %slice3A_311 = vector.extract_strided_slice %scan3A_183 {offsets = [12, 0], sizes = [1, 256], strides = [1, 1]} : vector<20x256xi32> to vector<1x256xi32>
    %ge3A_312 = vector.broadcast %slice3A_311 : vector<1x256xi32> to vector<512x256xi32>
    %ge3A_313 = arith.cmpi sge, %and3A_115, %ge3A_312 : vector<512x256xi32>
    %mul3A_314 = arith.mulf %mul3A_111, %mul3A_111 : vector<512x256xf32>
    %jit3A_315 = arith.constant 0.000000e+00 : f32
    %broadcast_in_dim3A_316 = vector.broadcast %jit3A_315 : f32 to vector<512x256xf32>
    %select_n3A_317 = arith.select %ge3A_313, %mul3A_314, %broadcast_in_dim3A_316 : vector<512x256xi1>, vector<512x256xf32>
    %reduce_sum3A_318 = arith.constant dense<0.000000e+00> : vector<256xf32>
    %reduce_sum3A_319 = vector.multi_reduction <add>, %select_n3A_317, %reduce_sum3A_318 [0] : vector<512x256xf32> to vector<256xf32>
    %broadcast_in_dim3A_320 = vector.shape_cast %reduce_sum3A_319 : vector<256xf32> to vector<1x256xf32>
    %sqrt3A_321 = math.sqrt %broadcast_in_dim3A_320 : vector<1x256xf32>
    %slice3A_322 = vector.extract_strided_slice %scan3A_183 {offsets = [13, 0], sizes = [1, 256], strides = [1, 1]} : vector<20x256xi32> to vector<1x256xi32>
    %ge3A_323 = vector.broadcast %slice3A_322 : vector<1x256xi32> to vector<512x256xi32>
    %ge3A_324 = arith.cmpi sge, %and3A_124, %ge3A_323 : vector<512x256xi32>
    %mul3A_325 = arith.mulf %mul3A_120, %mul3A_120 : vector<512x256xf32>
    %jit3A_326 = arith.constant 0.000000e+00 : f32
    %broadcast_in_dim3A_327 = vector.broadcast %jit3A_326 : f32 to vector<512x256xf32>
    %select_n3A_328 = arith.select %ge3A_324, %mul3A_325, %broadcast_in_dim3A_327 : vector<512x256xi1>, vector<512x256xf32>
    %reduce_sum3A_329 = arith.constant dense<0.000000e+00> : vector<256xf32>
    %reduce_sum3A_330 = vector.multi_reduction <add>, %select_n3A_328, %reduce_sum3A_329 [0] : vector<512x256xf32> to vector<256xf32>
    %broadcast_in_dim3A_331 = vector.shape_cast %reduce_sum3A_330 : vector<256xf32> to vector<1x256xf32>
    %sqrt3A_332 = math.sqrt %broadcast_in_dim3A_331 : vector<1x256xf32>
    %slice3A_333 = vector.extract_strided_slice %scan3A_183 {offsets = [14, 0], sizes = [1, 256], strides = [1, 1]} : vector<20x256xi32> to vector<1x256xi32>
    %ge3A_334 = vector.broadcast %slice3A_333 : vector<1x256xi32> to vector<512x256xi32>
    %ge3A_335 = arith.cmpi sge, %and3A_133, %ge3A_334 : vector<512x256xi32>
    %mul3A_336 = arith.mulf %mul3A_129, %mul3A_129 : vector<512x256xf32>
    %jit3A_337 = arith.constant 0.000000e+00 : f32
    %broadcast_in_dim3A_338 = vector.broadcast %jit3A_337 : f32 to vector<512x256xf32>
    %select_n3A_339 = arith.select %ge3A_335, %mul3A_336, %broadcast_in_dim3A_338 : vector<512x256xi1>, vector<512x256xf32>
    %reduce_sum3A_340 = arith.constant dense<0.000000e+00> : vector<256xf32>
    %reduce_sum3A_341 = vector.multi_reduction <add>, %select_n3A_339, %reduce_sum3A_340 [0] : vector<512x256xf32> to vector<256xf32>
    %broadcast_in_dim3A_342 = vector.shape_cast %reduce_sum3A_341 : vector<256xf32> to vector<1x256xf32>
    %sqrt3A_343 = math.sqrt %broadcast_in_dim3A_342 : vector<1x256xf32>
    %slice3A_344 = vector.extract_strided_slice %scan3A_183 {offsets = [15, 0], sizes = [1, 256], strides = [1, 1]} : vector<20x256xi32> to vector<1x256xi32>
    %ge3A_345 = vector.broadcast %slice3A_344 : vector<1x256xi32> to vector<512x256xi32>
    %ge3A_346 = arith.cmpi sge, %and3A_142, %ge3A_345 : vector<512x256xi32>
    %mul3A_347 = arith.mulf %mul3A_138, %mul3A_138 : vector<512x256xf32>
    %jit3A_348 = arith.constant 0.000000e+00 : f32
    %broadcast_in_dim3A_349 = vector.broadcast %jit3A_348 : f32 to vector<512x256xf32>
    %select_n3A_350 = arith.select %ge3A_346, %mul3A_347, %broadcast_in_dim3A_349 : vector<512x256xi1>, vector<512x256xf32>
    %reduce_sum3A_351 = arith.constant dense<0.000000e+00> : vector<256xf32>
    %reduce_sum3A_352 = vector.multi_reduction <add>, %select_n3A_350, %reduce_sum3A_351 [0] : vector<512x256xf32> to vector<256xf32>
    %broadcast_in_dim3A_353 = vector.shape_cast %reduce_sum3A_352 : vector<256xf32> to vector<1x256xf32>
    %sqrt3A_354 = math.sqrt %broadcast_in_dim3A_353 : vector<1x256xf32>
    %slice3A_355 = vector.extract_strided_slice %scan3A_183 {offsets = [16, 0], sizes = [1, 256], strides = [1, 1]} : vector<20x256xi32> to vector<1x256xi32>
    %ge3A_356 = vector.broadcast %slice3A_355 : vector<1x256xi32> to vector<512x256xi32>
    %ge3A_357 = arith.cmpi sge, %and3A_151, %ge3A_356 : vector<512x256xi32>
    %mul3A_358 = arith.mulf %mul3A_147, %mul3A_147 : vector<512x256xf32>
    %jit3A_359 = arith.constant 0.000000e+00 : f32
    %broadcast_in_dim3A_360 = vector.broadcast %jit3A_359 : f32 to vector<512x256xf32>
    %select_n3A_361 = arith.select %ge3A_357, %mul3A_358, %broadcast_in_dim3A_360 : vector<512x256xi1>, vector<512x256xf32>
    %reduce_sum3A_362 = arith.constant dense<0.000000e+00> : vector<256xf32>
    %reduce_sum3A_363 = vector.multi_reduction <add>, %select_n3A_361, %reduce_sum3A_362 [0] : vector<512x256xf32> to vector<256xf32>
    %broadcast_in_dim3A_364 = vector.shape_cast %reduce_sum3A_363 : vector<256xf32> to vector<1x256xf32>
    %sqrt3A_365 = math.sqrt %broadcast_in_dim3A_364 : vector<1x256xf32>
    %slice3A_366 = vector.extract_strided_slice %scan3A_183 {offsets = [17, 0], sizes = [1, 256], strides = [1, 1]} : vector<20x256xi32> to vector<1x256xi32>
    %ge3A_367 = vector.broadcast %slice3A_366 : vector<1x256xi32> to vector<512x256xi32>
    %ge3A_368 = arith.cmpi sge, %and3A_160, %ge3A_367 : vector<512x256xi32>
    %mul3A_369 = arith.mulf %mul3A_156, %mul3A_156 : vector<512x256xf32>
    %jit3A_370 = arith.constant 0.000000e+00 : f32
    %broadcast_in_dim3A_371 = vector.broadcast %jit3A_370 : f32 to vector<512x256xf32>
    %select_n3A_372 = arith.select %ge3A_368, %mul3A_369, %broadcast_in_dim3A_371 : vector<512x256xi1>, vector<512x256xf32>
    %reduce_sum3A_373 = arith.constant dense<0.000000e+00> : vector<256xf32>
    %reduce_sum3A_374 = vector.multi_reduction <add>, %select_n3A_372, %reduce_sum3A_373 [0] : vector<512x256xf32> to vector<256xf32>
    %broadcast_in_dim3A_375 = vector.shape_cast %reduce_sum3A_374 : vector<256xf32> to vector<1x256xf32>
    %sqrt3A_376 = math.sqrt %broadcast_in_dim3A_375 : vector<1x256xf32>
    %slice3A_377 = vector.extract_strided_slice %scan3A_183 {offsets = [18, 0], sizes = [1, 256], strides = [1, 1]} : vector<20x256xi32> to vector<1x256xi32>
    %ge3A_378 = vector.broadcast %slice3A_377 : vector<1x256xi32> to vector<512x256xi32>
    %ge3A_379 = arith.cmpi sge, %and3A_169, %ge3A_378 : vector<512x256xi32>
    %mul3A_380 = arith.mulf %mul3A_165, %mul3A_165 : vector<512x256xf32>
    %jit3A_381 = arith.constant 0.000000e+00 : f32
    %broadcast_in_dim3A_382 = vector.broadcast %jit3A_381 : f32 to vector<512x256xf32>
    %select_n3A_383 = arith.select %ge3A_379, %mul3A_380, %broadcast_in_dim3A_382 : vector<512x256xi1>, vector<512x256xf32>
    %reduce_sum3A_384 = arith.constant dense<0.000000e+00> : vector<256xf32>
    %reduce_sum3A_385 = vector.multi_reduction <add>, %select_n3A_383, %reduce_sum3A_384 [0] : vector<512x256xf32> to vector<256xf32>
    %broadcast_in_dim3A_386 = vector.shape_cast %reduce_sum3A_385 : vector<256xf32> to vector<1x256xf32>
    %sqrt3A_387 = math.sqrt %broadcast_in_dim3A_386 : vector<1x256xf32>
    %slice3A_388 = vector.extract_strided_slice %scan3A_183 {offsets = [19, 0], sizes = [1, 256], strides = [1, 1]} : vector<20x256xi32> to vector<1x256xi32>
    %ge3A_389 = vector.broadcast %slice3A_388 : vector<1x256xi32> to vector<512x256xi32>
    %ge3A_390 = arith.cmpi sge, %and3A_178, %ge3A_389 : vector<512x256xi32>
    %mul3A_391 = arith.mulf %mul3A_174, %mul3A_174 : vector<512x256xf32>
    %jit3A_392 = arith.constant 0.000000e+00 : f32
    %broadcast_in_dim3A_393 = vector.broadcast %jit3A_392 : f32 to vector<512x256xf32>
    %select_n3A_394 = arith.select %ge3A_390, %mul3A_391, %broadcast_in_dim3A_393 : vector<512x256xi1>, vector<512x256xf32>
    %reduce_sum3A_395 = arith.constant dense<0.000000e+00> : vector<256xf32>
    %reduce_sum3A_396 = vector.multi_reduction <add>, %select_n3A_394, %reduce_sum3A_395 [0] : vector<512x256xf32> to vector<256xf32>
    %broadcast_in_dim3A_397 = vector.shape_cast %reduce_sum3A_396 : vector<256xf32> to vector<1x256xf32>
    %sqrt3A_398 = math.sqrt %broadcast_in_dim3A_397 : vector<1x256xf32>
    %transpose3A_399 = tpu.transpose %scan3A_183, [1, 0] : vector<20x256xi32> -> vector<256x20xi32>
    %swap3A = arith.constant 0 : index
    %swap3A_400 = arith.constant 0 : index
    %swap3A_401 = vector.load %arg3[%swap3A, %swap3A_400] : memref<256x20xi32, #tpu.memory_space<vmem>>, vector<256x20xi32>
    tpu.vector_store %arg3[%swap3A, %swap3A_400], %transpose3A_399 {strides = array<i32>} : memref<256x20xi32, #tpu.memory_space<vmem>>, vector<256x20xi32>,
    %concatenate3A = tpu.concatenate %sqrt3A, %sqrt3A_200, %sqrt3A_211, %sqrt3A_222, %sqrt3A_233, %sqrt3A_244, %sqrt3A_255, %sqrt3A_266, %sqrt3A_277, %sqrt3A_288, %sqrt3A_299, %sqrt3A_310, %sqrt3A_321, %sqrt3A_332, %sqrt3A_343, %sqrt3A_354, %sqrt3A_365, %sqrt3A_376, %sqrt3A_387, %sqrt3A_398 in 0 : vector<1x256xf32>, vector<1x256xf32>, vector<1x256xf32>, vector<1x256xf32>, vector<1x256xf32>, vector<1x256xf32>, vector<1x256xf32>, vector<1x256xf32>, vector<1x256xf32>, vector<1x256xf32>, vector<1x256xf32>, vector<1x256xf32>, vector<1x256xf32>, vector<1x256xf32>, vector<1x256xf32>, vector<1x256xf32>, vector<1x256xf32>, vector<1x256xf32>, vector<1x256xf32>, vector<1x256xf32> -> vector<20x256xf32>
    %transpose3A_402 = tpu.transpose %concatenate3A, [1, 0] : vector<20x256xf32> -> vector<256x20xf32>
    %swap3A_403 = arith.constant 0 : index
    %swap3A_404 = arith.constant 0 : index
    %swap3A_405 = vector.load %arg4[%swap3A_403, %swap3A_404] : memref<256x20xf32, #tpu.memory_space<vmem>>, vector<256x20xf32>
    tpu.vector_store %arg4[%swap3A_403, %swap3A_404], %transpose3A_402 {strides = array<i32>} : memref<256x20xf32, #tpu.memory_space<vmem>>, vector<256x20xf32>,
    return
  }
  func.func @transform_0(%arg0: i32) -> (i32, i32) {
    %c0_i32 = arith.constant 0 : i32
    %c0_i32_0 = arith.constant 0 : i32
    return %arg0, %c0_i32 : i32, i32
  }
  func.func @transform_1(%arg0: i32) -> (i32, i32) {
    %c0_i32 = arith.constant 0 : i32
    %c0_i32_0 = arith.constant 0 : i32
    %c0_i32_1 = arith.constant 0 : i32
    return %c0_i32, %c0_i32_0 : i32, i32
  }
  func.func @transform_2(%arg0: i32) -> (i32, i32) {
    %c0_i32 = arith.constant 0 : i32
    %c0_i32_0 = arith.constant 0 : i32
    return %arg0, %c0_i32 : i32, i32
  }
  func.func @transform_3(%arg0: i32) -> (i32, i32) {
    %c0_i32 = arith.constant 0 : i32
    %c0_i32_0 = arith.constant 0 : i32
    return %arg0, %c0_i32 : i32, i32
  }
}

module attributes {stable_mosaic.version = 14 : i64} {
  func.func @_expand_kernel(%arg0: i32, %arg1: memref<112x512xf32, #tpu.memory_space<vmem>>, %arg2: memref<20x512xf32, #tpu.memory_space<vmem>>, %arg3: memref<112x20xi32, #tpu.memory_space<vmem>>, %arg4: memref<112x20xf32, #tpu.memory_space<vmem>>, %arg5: memref<112x512xf32, #tpu.memory_space<vmem>>, %arg6: memref<20x512xf32, #tpu.memory_space<vmem>>, %arg7: memref<1x20xf32, #tpu.memory_space<vmem>>, %arg8: memref<112x20x512xf32, #tpu.memory_space<vmem>>) attributes {dimension_semantics = [#tpu.dimension_semantics<arbitrary>], iteration_bounds = array<i64: 14>, scalar_prefetch = 0 : i64, scratch_operands = 0 : i64, tpu.core_type = #tpu.core_type<tc>, window_params = [{transform_indices = @transform_0, window_bounds = array<i64: 112, 512>}, {pipeline_mode = #tpu.pipeline_mode<synchronous>, transform_indices = @transform_1, window_bounds = array<i64: 20, 512>}, {transform_indices = @transform_2, window_bounds = array<i64: 112, 20>}, {transform_indices = @transform_3, window_bounds = array<i64: 112, 20>}, {transform_indices = @transform_4, window_bounds = array<i64: 112, 512>}, {pipeline_mode = #tpu.pipeline_mode<synchronous>, transform_indices = @transform_5, window_bounds = array<i64: 20, 512>}, {pipeline_mode = #tpu.pipeline_mode<synchronous>, transform_indices = @transform_6, window_bounds = array<i64: 1, 20>}, {transform_indices = @transform_7, window_bounds = array<i64: 112, 20, 512>}]} {
    %get3A = arith.constant 0 : index
    %get3A_0 = arith.constant 0 : index
    %get3A_1 = vector.load %arg1[%get3A, %get3A_0] : memref<112x512xf32, #tpu.memory_space<vmem>>, vector<112x512xf32>
    %get3A_2 = arith.constant 0 : index
    %get3A_3 = arith.constant 0 : index
    %get3A_4 = vector.load %arg2[%get3A_2, %get3A_3] : memref<20x512xf32, #tpu.memory_space<vmem>>, vector<20x512xf32>
    %get3A_5 = arith.constant 0 : index
    %get3A_6 = arith.constant 0 : index
    %get3A_7 = vector.load %arg3[%get3A_5, %get3A_6] : memref<112x20xi32, #tpu.memory_space<vmem>>, vector<112x20xi32>
    %get3A_8 = arith.constant 0 : index
    %get3A_9 = arith.constant 0 : index
    %get3A_10 = vector.load %arg4[%get3A_8, %get3A_9] : memref<112x20xf32, #tpu.memory_space<vmem>>, vector<112x20xf32>
    %get3A_11 = arith.constant 0 : index
    %get3A_12 = arith.constant 0 : index
    %get3A_13 = vector.load %arg5[%get3A_11, %get3A_12] : memref<112x512xf32, #tpu.memory_space<vmem>>, vector<112x512xf32>
    %get3A_14 = arith.constant 0 : index
    %get3A_15 = arith.constant 0 : index
    %get3A_16 = vector.load %arg6[%get3A_14, %get3A_15] : memref<20x512xf32, #tpu.memory_space<vmem>>, vector<20x512xf32>
    %convert_element_type3A = arith.truncf %get3A_13 : vector<112x512xf32> to vector<112x512xbf16>
    %convert_element_type3A_17 = arith.truncf %get3A_16 : vector<20x512xf32> to vector<20x512xbf16>
    %dot_general3A = arith.constant dense<0.000000e+00> : vector<112x20xf32>
    %dot_general3A_18 = tpu.matmul %convert_element_type3A, %convert_element_type3A_17, %dot_general3A {dimension_numbers = #tpu.dot_dimension_numbers<[1], [1], [0], [0], [0, 0, 1, 0], [], []>, transpose_lhs_hint = false} : vector<112x512xbf16>, vector<20x512xbf16>, vector<112x20xf32> -> vector<112x20xf32>
    %get3A_19 = arith.constant 0 : index
    %get3A_20 = arith.constant 0 : index
    %get3A_21 = vector.load %arg7[%get3A_19, %get3A_20] : memref<1x20xf32, #tpu.memory_space<vmem>>, vector<1x20xf32>
    %add3A = vector.broadcast %get3A_21 : vector<1x20xf32> to vector<112x20xf32>
    %add3A_22 = arith.addf %dot_general3A_18, %add3A : vector<112x20xf32>
    %broadcast_in_dim3A = vector.shape_cast %get3A_1 : vector<112x512xf32> to vector<112x1x512xf32>
    %broadcast_in_dim3A_23 = vector.shape_cast %get3A_4 : vector<20x512xf32> to vector<1x20x512xf32>
    %mul3A = vector.broadcast %broadcast_in_dim3A : vector<112x1x512xf32> to vector<112x20x512xf32>
    %mul3A_24 = vector.broadcast %broadcast_in_dim3A_23 : vector<1x20x512xf32> to vector<112x20x512xf32>
    %mul3A_25 = arith.mulf %mul3A, %mul3A_24 : vector<112x20x512xf32>
    %bitcast_convert_type3A = tpu.bitcast %mul3A_25 : vector<112x20x512xf32> -> vector<112x20x512xi32>
    %and3A = arith.constant 2147483647 : i32
    %and3A_26 = vector.broadcast %and3A : i32 to vector<112x20x512xi32>
    %and3A_27 = arith.andi %bitcast_convert_type3A, %and3A_26 : vector<112x20x512xi32>
    %broadcast_in_dim3A_28 = vector.shape_cast %get3A_7 : vector<112x20xi32> to vector<112x20x1xi32>
    %ge3A = vector.broadcast %broadcast_in_dim3A_28 : vector<112x20x1xi32> to vector<112x20x512xi32>
    %ge3A_29 = arith.cmpi sge, %and3A_27, %ge3A : vector<112x20x512xi32>
    %abs3A = math.absf %add3A_22 : vector<112x20xf32>
    %mul3A_30 = arith.mulf %abs3A, %get3A_10 : vector<112x20xf32>
    %max3A = arith.constant 9.99999997E-7 : f32
    %max3A_31 = vector.broadcast %max3A : f32 to vector<112x20xf32>
    %max3A_32 = arith.maximumf %mul3A_30, %max3A_31 : vector<112x20xf32>
    %div3A = arith.divf %add3A_22, %max3A_32 : vector<112x20xf32>
    %broadcast_in_dim3A_33 = vector.shape_cast %div3A : vector<112x20xf32> to vector<112x20x1xf32>
    %mul3A_34 = vector.broadcast %broadcast_in_dim3A_33 : vector<112x20x1xf32> to vector<112x20x512xf32>
    %mul3A_35 = arith.mulf %mul3A_25, %mul3A_34 : vector<112x20x512xf32>
    %jit3A = arith.constant 0.000000e+00 : f32
    %broadcast_in_dim3A_36 = vector.broadcast %jit3A : f32 to vector<112x20x512xf32>
    %select_n3A = arith.select %ge3A_29, %mul3A_35, %broadcast_in_dim3A_36 : vector<112x20x512xi1>, vector<112x20x512xf32>
    %swap3A = arith.constant 0 : index
    %swap3A_37 = arith.constant 0 : index
    %swap3A_38 = arith.constant 0 : index
    %swap3A_39 = vector.load %arg8[%swap3A, %swap3A_37, %swap3A_38] : memref<112x20x512xf32, #tpu.memory_space<vmem>>, vector<112x20x512xf32>
    tpu.vector_store %arg8[%swap3A, %swap3A_37, %swap3A_38], %select_n3A {strides = array<i32>} : memref<112x20x512xf32, #tpu.memory_space<vmem>>, vector<112x20x512xf32>,
    return
  }
  func.func @transform_0(%arg0: i32) -> (i32, i32) {
    %c0_i32 = arith.constant 0 : i32
    %c0_i32_0 = arith.constant 0 : i32
    return %arg0, %c0_i32 : i32, i32
  }
  func.func @transform_1(%arg0: i32) -> (i32, i32) {
    %c0_i32 = arith.constant 0 : i32
    %c0_i32_0 = arith.constant 0 : i32
    %c0_i32_1 = arith.constant 0 : i32
    return %c0_i32, %c0_i32_0 : i32, i32
  }
  func.func @transform_2(%arg0: i32) -> (i32, i32) {
    %c0_i32 = arith.constant 0 : i32
    %c0_i32_0 = arith.constant 0 : i32
    return %arg0, %c0_i32 : i32, i32
  }
  func.func @transform_3(%arg0: i32) -> (i32, i32) {
    %c0_i32 = arith.constant 0 : i32
    %c0_i32_0 = arith.constant 0 : i32
    return %arg0, %c0_i32 : i32, i32
  }
  func.func @transform_4(%arg0: i32) -> (i32, i32) {
    %c0_i32 = arith.constant 0 : i32
    %c0_i32_0 = arith.constant 0 : i32
    return %arg0, %c0_i32 : i32, i32
  }
  func.func @transform_5(%arg0: i32) -> (i32, i32) {
    %c0_i32 = arith.constant 0 : i32
    %c0_i32_0 = arith.constant 0 : i32
    %c0_i32_1 = arith.constant 0 : i32
    return %c0_i32, %c0_i32_0 : i32, i32
  }
  func.func @transform_6(%arg0: i32) -> (i32, i32) {
    %c0_i32 = arith.constant 0 : i32
    %c0_i32_0 = arith.constant 0 : i32
    %c0_i32_1 = arith.constant 0 : i32
    return %c0_i32, %c0_i32_0 : i32, i32
  }
  func.func @transform_7(%arg0: i32) -> (i32, i32, i32) {
    %c0_i32 = arith.constant 0 : i32
    %c0_i32_0 = arith.constant 0 : i32
    %c0_i32_1 = arith.constant 0 : i32
    return %arg0, %c0_i32, %c0_i32_0 : i32, i32, i32
  }
}

</mosaic_0001>

<sc_bundles>
// kernel: sparse-core-data-format-call.cloned.1.call-start
scs
called_computation_lowered:
.L_overlay_start_0:
0x0: {  	s2 =	sld [smem:$0x3FD9]  }
0x1: {  	s3 =	sld [smem:$0x3FFE];
	_ =	sdelay $0x1  }
0x2: {  	s1 =	srdreg.scid  }
0x3: {  	s0 =	sand.u32 $0x1, s1  }
0x4: {  	s18 =	sshll.u32 s0, $0xA;
	s2 =	sadd.s32 s3, s2  }
0x5: {  	s2 =	sadd.s32 s2, s18  }
0x6: {  	[smem:$0x3FBC] =	sst s2  }
0x7: {  	_ = 	snop  }
0x8: {  	s2 =	sld [smem:$0x3FD0];
	(tm) =	ssettm $0x1  }
0x9: {  	s19 =	sld [smem:$0x3FFB];
	_ =	sdelay $0x3  }
0xa: {  	_ =	strace s19  }
0xb: {  	s3 =	sld [smem:$0x3FFC];
	_ =	sdelay $0x3  }
0xc: {  	_ =	strace s3  }
0xd: {  	s3 =	sld [smem:$0x3FFD];
	_ =	sdelay $0x3  }
0xe: {  	_ =	strace s3  }
0xf: {  	_ =	strace $0x8FFFFFFF  }
0x10: {  	s20 =	sld [smem:$0x3FDB];
	_ =	sdelay $0x1  }
0x11: {  	s4 =	simm.s32 $_scs_section_size  }
0x12: {  	s5 =	simm.s32 $_size__tile_overlayer_lowered;
	s6 =	simm.s32 $_tile_overlayer_lowered  }
0x13: {  	s23 =	simm.s32 $0x1BFF;
	s22 =	sshll.u32 s6, $0x1;
	s3 =	sadd.s32 s4, s20  }
0x14: {  	s7 =	simm.s32 $0x0;
	s21 =	sshll.u32 s5, $0x1;
	s5 =	sadd.s32 s22, s3  }
0x15: {  	[timem:s7], [sflag:s23] =	dma.local [hbm:s5], s21  }
0x16: {  	_ =	swait.ge [sflag:s23], s21  }
0x17: {  	s4 =	ssub.s32 $0x0, s21;
	[sflag:s23] =	ssyncset.done $0x0  }
0x18: {  	[sflag:s23] =	ssyncadd.s32 s4;
	_ =	sdelay $0x1  }
0x19: {  	s24 =	simm.s32 $0x1B8B  }
0x1a: {  	_ =	swait.ge [sflag:s24], $0x1  }
0x1b: {  	[sflag:s24] =	ssyncset.done $0x0  }
0x1c: {  	s26 =	simm.s32 $0x1B8E;
	s25 =	sld [smem:$0x3FFE];
	[sflag:s24] =	ssyncadd.s32 $0xFFFFFFFF  }
0x1d: {  	s27 =	simm.s32 $execute0_lowered;
	[smem:$0x3FD2] =	sst s26  }
0x1e: {  	s5 =	sshll.u32 s27, $0x1;
	_ =	strace $0x80000046;
	[dreg:$0x1] =	wrdreg $0xFFFFFFFF  }
0x1f: {  	s28 =	simm.s32 $_size_execute0_lowered;
	s3 =	sadd.s32 s3, s5;
	[dreg:$0x0] =	wrdreg $0x0  }
0x20: {  	s5 =	sshll.u32 s28, $0x1;
	[dreg:$0x2] =	wrdreg s3  }
0x21: {  	[dreg:$0x3] =	wrdreg s5  }
0x22: {  	[dreg:$0x4] =	wrdreg $0xC0  }
0x23: {  	_ =	task [dreg:s7], $0x5FFFF  }
0x24: {  	[dreg:$0x1] =	wrdreg $0xFFFFFFFF  }
0x25: {  	[dreg:$0x0] =	wrdreg $0x60  }
0x26: {  	[dreg:$0x2] =	wrdreg s25  }
0x27: {  	[dreg:$0x3] =	wrdreg s2  }
0x28: {  	[dreg:$0x4] =	wrdreg $0x9  }
0x29: {  	_ =	task.clear_ibuf [dreg:s7], $0x5FFFF;
	_ =	strace $0x90000046  }
0x2a: {  	s29 =	simm.s32 $0x9;
	_ =	strace $0x80000048  }
0x2b: {  	_ =	swait.ge [sflag:s29], $0x1  }
0x2c: {  	[sflag:s29] =	ssyncadd.s32 $0xFFFFFFFF  }
0x2d: {  	_ =	strace $0x90000048  }
0x2e: {  	_ =	sfence  }
0x2f: {  	s30 =	sld [smem:$0x0];
	_ =	sdelay $0x2  }
0x30: {  	s31 =	sshll.u32 s1, $0xD;
	s1 =	sshrl.u32 s1, $0x2  }
0x31: {  	s3 =	sand.u32 $0x4000, s31;
	s1 =	sadd.s32 s1, s30  }
0x32: {  	s0 =	sor.u32 s3, s0;
	s1 =	sshll.u32 s1, $0x11  }
0x33: {  	s0 =	sor.u32 s1, s0  }
0x34: {  	s0 =	sadd.s32 $0x8F2B, s0  }
0x35: {  	[sflag:s0] =	ssyncadd.remote.s32 $0x1  }
0x36: {  	_ =	sfence.sel $0xFFFF  }
0x37: {  	[dreg:$0x0] =	wrdreg $0xFFFFFFFF;
	(pc) =	sbr.abs _section_cstart, $3  }
0x38: {  	[dreg:$0x1] =	wrdreg $0xFFFFFFFF  }
0x39: {  	_ =	task.clear_ibuf [dreg:s7], $0x2FFFF;
	_ =	strace $0x9FFFFFFF  }
0x3a: {  	(tm) =	ssettm $0x7FFFFFFF  }
0x3b: {  	_ =	shalt  }
tec
execute0_lowered:
.L_overlay_start_1:
0x0: {  	(tag) =	ssettag $0x1  }
0x1: {  	s0 =	srdreg.scid  }
0x2: {  	s2 =	rddreg [dreg:$0x0];
	s0 =	sshll.u32 s0, $0x8  }
0x3: {  	s23 =	stileid.u32;
	_ =	strace $0x80000047;
	s1 =	sand.u32 $0x100, s0  }
0x4: {  	s31 =	simm.s32 $0x2;
	s19 =	simm.s32 $0x0;
	s0 =	ssub.s32 $0x200, s1  }
0x5: {  	s11 =	simm.s32 $0x0;
	s21 =	simm.s32 $0x0;
	s3 =	sshrl.u32 s0, $0x8  }
0x6: {  	s4 =	ssub.s32 $0xD3, s23;
	s0 =	sshrl.u32 s0, $0x9;
	s3 =	sand.u32 $0x1, s3  }
0x7: {  	s20 =	simm.s32 $0x0;
	s4 =	sshrl.u32 s4, $0x4;
	s0 =	sadd.s32 s0, s3  }
0x8: {  	s22 =	simm.s32 $0x0;
	s12 =	simm.s32 $0x0;
	s0 =	smul.u32 s0, s4  }
.Ltmp0:
0x9: {  	s13 =	simm.s32 $0x0;
	s14 =	simm.s32 $0x0;
	(pc) =	sbr.rel .LBB1_1-.Ltmp0, $4  }
0xa: {  	s15 =	simm.s32 $0x0;
	s16 =	stileid.u32;
	s17 =	simm.s32 $0x0  }
0xb: {  	s18 =	simm.s32 $0x0;
	s4 =	simm.s32 $0x1;
	s5 =	smul.u32 $0x3, s0  }
0xc: {  	s28 =	simm.s32 $0x0;
	s6 =	sadd.s32 $0x1A00, s2;
	[sflag:s4] =	ssyncpa.u1 $0x0  }
0xd: {  	s7 =	sshll.u32 s1, $0x3;
	[sflag:s31] =	ssyncpa.u1 $0x0;
	s8 =	sadd.s32 $0x1, s5  }
.LBB1_7:
0xe: {  	p0 =	slt.u32 s18, $0x2  }
0xf: {  	p1 =	sgt.s32 @!p0 s21, $0xC3  }
0x10: {  	s0 =	smov.u32 s21;
	s2 =	sshra.s32 @!p0 s21, $0x1F;
	p1 =	por !p1, p0  }
0x11: {  	s2 =	sand.u32 @!p0 s2, s21;
	s0 =	simm.s32 @p1 $0xC3  }
0x12: {  	s3 =	smov.u32 s19;
	s10 =	smov.u32 s16;
	s0 =	ssub.s32 @!p0 s0, s2  }
0x13: {  	p2 =	sgt.s32 @!p0 s19, $0xC;
	s9 =	ssub.s32 @!p0 $0x0, s20;
	s2 =	sadd.s32 @!p0 $0xFFFFFF3D, s0  }
0x14: {  	p2 =	por !p2, p0;
	s9 =	smin.u32 @!p0 s20, s9;
	p1 =	sgt.s32 @!p0 s2, $0x0  }
0x15: {  	s0 =	ssub.s32 @!p0 $0xC4, s0;
	s2 =	sshra.s32 @!p0 s19, $0x1F;
	p1 =	por !p1, p0  }
0x16: {  	s3 =	simm.s32 @p2 $0xC;
	s2 =	sand.u32 @!p0 s2, s19;
	s0 =	simm.s32 @!p1 $0x0  }
0x17: {  	s2 =	ssub.s32 @!p0 s3, s2;
	p1 =	sgt.s32 @!p0 s9, $0x7;
	s3 =	sshll.u32 @!p0 s9, $0x8  }
0x18: {  	s9 =	sadd.s32 @!p0 $0xFFFFFFF4, s2;
	s3 =	ssub.s32 @!p0 $0x800, s3;
	p1 =	por !p1, p0  }
0x19: {  	s2 =	ssub.s32 @!p0 $0x14, s2;
	p2 =	sgt.s32 @!p0 s9, $0x7;
	s3 =	simm.s32 @!p1 $0x0  }
0x1a: {  	p1 =	por !p2, p0;
	s0 =	smul.u32 @!p0 s0, s3;
	s3 =	sadd.s32 $0x8, s15  }
0x1b: {  	s9 =	sadd.s32 $0x10, s16;
	s2 =	simm.s32 @!p1 $0x0;
	p1 =	sgt.s32 s3, $0x13  }
0x1c: {  	s11 =	sadd.s32 $0x4000, s11;
	s0 =	smul.u32 @!p0 s2, s0;
	s10 =	smov.u32 @p1 s9  }
0x1d: {  	s2 =	sadd.s32 $0x8, s17;
	s9 =	smov.u32 s17;
	p2 =	sgt.s32 s10, $0xC3  }
0x1e: {  	s22 =	smov.u32 s1;
	s21 =	smov.u32 s13;
	s9 =	smov.u32 @p2 s2  }
0x1f: {  	s20 =	smov.u32 s14;
	s3 =	simm.s32 @p1 $0x0;
	p1 =	sgt.s32 s9, $0x7  }
0x20: {  	s13 =	smov.u32 s16;
	s9 =	simm.s32 @p1 $0x0;
	p1 =	sne.s32 s18, s8  }
.Ltmp1:
0x21: {  	s14 =	smov.u32 s17;
	s19 =	smov.u32 s12;
	(pc) =	sbr.rel @!p1 .LBB1_8-.Ltmp1, $4  }
0x22: {  	s12 =	smov.u32 s15;
	s0 =	sand.u32 @!p0 $0x3FFFFF00, s0;
	s2 =	simm.s32 @!p0 $0x2  }
0x23: {  	s15 =	smov.u32 s3;
	s10 =	smov.u32 @p2 s23;
	_ =	swait.ge @!p0 [sflag:s2], s0  }
0x24: {  	s0 =	ssub.s32 @!p0 $0x0, s0;
	s16 =	smov.u32 s10;
	[sflag:s2] =	ssyncset.done @!p0 $0x0  }
0x25: {  	s18 =	sadd.s32 $0x1, s18;
	[sflag:s2] =	ssyncadd.s32 @!p0 s0;
	s17 =	smov.u32 s9  }
.LBB1_1:
0x26: {  	p0 =	sge.u32 s18, s5  }
0x27: {  	s0 =	sshll.u32 @!p0 s15, $0x9  }
0x28: {  	s2 =	sshll.u32 @!p0 s15, $0x7;
	s0 =	sand.u32 @!p0 $0xFFFFF000, s0  }
0x29: {  	s2 =	sand.u32 @!p0 $0x200, s2;
	s0 =	sor.u32 @!p0 s7, s0  }
0x2a: {  	s0 =	sor.u32 @!p0 s2, s0  }
0x2b: {  	s0 =	sshrl.u32 @!p0 s0, $0x9  }
0x2c: {  	s2 =	smulhi.u32 @!p0 $0xAAAAAAB, s0  }
0x2d: {  	s3 =	smul.u32 @!p0 $0x49800, s17  }
0x2e: {  	s2 =	smul.u32 @!p0 $0x18, s2  }
0x2f: {  	s31 =	sadd.s32 $0xFFFFFFFF, s18;
	s9 =	sxor.u32 @!p0 $0xFFFFFFFF, s18;
	s10 =	smul.u32 @!p0 $0x600, s16  }
0x30: {  	s3 =	sadd.s32 @!p0 s6, s3;
	s0 =	ssub.s32 @!p0 s0, s2;
	s2 =	sshll.u32 @!p0 s15, $0x4  }
0x31: {  	s9 =	sshll.u32 @!p0 s9, $0xE;
	s3 =	sadd.s32 @!p0 s10, s3;
	s2 =	sand.u32 @!p0 $0x30, s2  }
0x32: {  	s9 =	sand.u32 @!p0 $0x4000, s9;
	s0 =	sshll.u32 @!p0 s0, $0x6;
	s2 =	sadd.s32 @!p0 s2, s3  }
0x33: {  	s3 =	simm.s32 @!p0 $0x24C000;
	s0 =	sadd.s32 @!p0 s0, s2;
	s2 =	simm.s32 @!p0 $0x800  }
0x34: {  	[tilespmem:s9], [sflag:$0x1] =	stream.strided.gather @!p0 [hbm4b:s0+s2], $0x4000, s3, s2, $0x38;
	[tilespmem:$0x10000] =	vst v63  }
0x35: {  	p0 =	sge.u32 s31, s5  }
.Ltmp2:
0x36: {  	_ = 	snop;
	(pc) =	sbr.rel @p0 .LBB1_7-.Ltmp2, $1  }
0x37: {  	_ =	sdelay $0x3  }
0x38: {  	s0 =	sshll.u32 s11, $0x2;
	_ =	swait.ge [sflag:s4], $0x4000;
	s2 =	sshll.u32 s18, $0xE  }
0x39: {  	p0 =	por $0x0, $0x0;
	s29 =	simm.s32 $0x0;
	s30 =	simm.s32 $0x0  }
0x3a: {  	s0 =	sand.u32 $0x10000, s0;
	[sflag:s4] =	ssyncset.done $0x0;
	s26 =	sand.u32 $0x4000, s2  }
0x3b: {  	s0 =	sshrl.u32 s0, $0x2;
	[sflag:s4] =	ssyncadd.s32 $0xFFFFC000;
	s23 =	sor.u32 $0x8000, s26  }
0x3c: {  	s24 =	sor.u32 $0x40, s0;
	s3 =	sor.u32 $0x8410, s0;
	s27 =	sadd.s32 $0x8400, s0  }
.LBB1_3:
0x3d: {  	v1 =	vld [tilespmem:s24+$0xFFFFFFD0]  }
0x3e: {  	v2 =	vld [tilespmem:s24+$0x430]  }
0x3f: {  	s0 =	sshll.u32 s30, $0xB;
	v4 =	vld [tilespmem:s24+$0xFFFFFFE0]  }
0x40: {  	v7 =	vld [tilespmem:s24+$0xFFFFFFF0];
	v0 =	vmov s0  }
0x41: {  	v8 =	vld [tilespmem:s24+$0x0]  }
0x42: {  	s10 =	sand.u32 $0x300, s28;
	v9 =	vld [tilespmem:s24+$0x10]  }
0x43: {  	s2 =	sand.u32 $0x80, s28;
	v10 =	vld [tilespmem:s24+$0x20];
	s0 =	sadd.s32 s10, s26  }
0x44: {  	v11 =	vld [tilespmem:s24+$0x30];
	s0 =	sadd.s32 s2, s0;
	s2 =	simm.s32 $0x1;
	[tilespmem:s3+$0x60] =	vst v2  }
0x45: {  	s25 =	sshll.u32 s29, $0x2;
	s2 =	simm.s32 @!p0 $0x0;
	[tilespmem:s3+$0xFFFFFC00] =	vst v1;
	v3 =	vld.idx.msk [tilespmem:v0+s0+$0x400 ss:$0x1], $0xffff  }
0x46: {  	v6 =	vld [tilespmem:s24+$0x3D0];
	s2 =	sshll.u32 s2, $0x9;
	[tilespmem:s3+$0xFFFFFC10] =	vst v4;
	s0 =	sand.u32 $0xFFFFFC00, s25  }
0x47: {  	v5 =	vld [tilespmem:s24+$0x3E0];
	[tilespmem:s3+$0xFFFFFC20] =	vst v7;
	s0 =	sor.u32 s2, s0  }
0x48: {  	[tilespmem:s3+$0xFFFFFC30] =	vst v8;
	v4 =	vld [tilespmem:s24+$0x400];
	s0 =	sshrl.u32 s0, $0x2  }
0x49: {  	[tilespmem:s3+$0xFFFFFC40] =	vst v9;
	v1 =	vld [tilespmem:s24+$0x410];
	s31 =	sadd.s32 s0, s27  }
0x4a: {  	[tilespmem:s31+$0x0] =	vst v3;
	v3 =	vld [tilespmem:s24+$0x3F0]  }
0x4b: {  	s9 =	simm.s32 $0x100;
	s10 =	simm.s32 $0x80;
	[tilespmem:s3+$0xFFFFFC50] =	vst v10;
	v2 =	vld [tilespmem:s24+$0x420]  }
0x4c: {  	v7 =	vld [tilespmem:s24+$0xFFFFFFC0];
	[tilespmem:s3+$0xFFFFFC60] =	vst v11;
	s25 =	smov.u32 s3;
	s2 =	sadd.s32 $0x80, s24;
	s0 =	sand.u32 $0x300, s10  }
.LBB1_4:
0x4d: {  	p1 =	sne.s32 s9, $0x380;
	v8 =	vld [tilespmem:s2+$0xFFFFFFD0];
	s10 =	sand.u32 $0x80, s10;
	s0 =	sadd.s32 s0, s26;
	[tilespmem:s25+$0x0] =	vst v6  }
0x4e: {  	s0 =	sadd.s32 s10, s0;
	v6 =	vld [tilespmem:s2+$0x430];
	[tilespmem:s25+$0x10] =	vst v5;
	s10 =	smov.u32 s9  }
0x4f: {  	v5 =	vld.idx.msk [tilespmem:v0+s0+$0x400 ss:$0x1], $0xffff;
	[tilespmem:s25+$0x20] =	vst v3  }
0x50: {  	v3 =	vld [tilespmem:s2+$0xFFFFFFE0];
	[tilespmem:s25+$0x30] =	vst v4  }
0x51: {  	v4 =	vld [tilespmem:s2+$0xFFFFFFF0];
	[tilespmem:s25+$0xFFFFFBF0] =	vst v7  }
0x52: {  	v7 =	vld [tilespmem:s2+$0x0];
	[tilespmem:s25+$0x40] =	vst v1  }
0x53: {  	v1 =	vld [tilespmem:s2+$0x10];
	[tilespmem:s25+$0x50] =	vst v2;
	s25 =	sadd.s32 $0x800, s25  }
0x54: {  	s31 =	sadd.s32 $0x800, s31;
	v2 =	vld [tilespmem:s2+$0x20];
	[tilespmem:s25+$0x60] =	vst v6  }
0x55: {  	v9 =	vld [tilespmem:s2+$0x30];
	[tilespmem:s31+$0x0] =	vst v5  }
0x56: {  	[tilespmem:s25+$0xFFFFFC00] =	vst v8;
	v6 =	vld [tilespmem:s2+$0x3D0]  }
0x57: {  	[tilespmem:s25+$0xFFFFFC10] =	vst v3;
	v5 =	vld [tilespmem:s2+$0x3E0]  }
.Ltmp3:
0x58: {  	[tilespmem:s25+$0xFFFFFC20] =	vst v4;
	v3 =	vld [tilespmem:s2+$0x3F0];
	(pc) =	sbr.rel @p1 .LBB1_4-.Ltmp3, $4  }
0x59: {  	[tilespmem:s25+$0xFFFFFC30] =	vst v7;
	v4 =	vld [tilespmem:s2+$0x400]  }
0x5a: {  	[tilespmem:s25+$0xFFFFFC40] =	vst v1;
	v1 =	vld [tilespmem:s2+$0x410]  }
0x5b: {  	[tilespmem:s25+$0xFFFFFC50] =	vst v2;
	v2 =	vld [tilespmem:s2+$0x420]  }
0x5c: {  	s9 =	sadd.s32 $0x80, s9;
	s0 =	sand.u32 $0x300, s10;
	v7 =	vld [tilespmem:s2+$0xFFFFFFC0];
	[tilespmem:s25+$0xFFFFFC60] =	vst v9;
	s2 =	sadd.s32 $0x80, s2  }
0x5d: {  	[tilespmem:s25+$0x0] =	vst v6  }
0x5e: {  	[tilespmem:s25+$0x10] =	vst v5  }
0x5f: {  	v49 =	vld [tilespmem:s2+$0x430];
	[tilespmem:s25+$0x20] =	vst v3  }
0x60: {  	v50 =	vld [tilespmem:s2+$0xFFFFFFD0];
	[tilespmem:s25+$0x30] =	vst v4  }
0x61: {  	v51 =	vld [tilespmem:s2+$0xFFFFFFE0];
	[tilespmem:s25+$0x40] =	vst v1  }
0x62: {  	v52 =	vld [tilespmem:s2+$0xFFFFFFF0];
	[tilespmem:s25+$0x50] =	vst v2  }
0x63: {  	v53 =	vld [tilespmem:s2+$0x0];
	[tilespmem:s25+$0xFFFFFBF0] =	vst v7;
	s25 =	sadd.s32 $0x800, s25  }
0x64: {  	v54 =	vld [tilespmem:s2+$0x10];
	[tilespmem:s25+$0x60] =	vst v49  }
0x65: {  	v55 =	vld [tilespmem:s2+$0x20];
	[tilespmem:s25+$0xFFFFFC00] =	vst v50  }
0x66: {  	v56 =	vld [tilespmem:s2+$0x30];
	[tilespmem:s25+$0xFFFFFC10] =	vst v51  }
0x67: {  	v57 =	vld [tilespmem:s2+$0x3D0];
	[tilespmem:s25+$0xFFFFFC20] =	vst v52  }
0x68: {  	v58 =	vld [tilespmem:s2+$0x3E0];
	[tilespmem:s25+$0xFFFFFC30] =	vst v53  }
0x69: {  	v59 =	vld [tilespmem:s2+$0x3F0];
	[tilespmem:s25+$0xFFFFFC40] =	vst v54  }
0x6a: {  	v60 =	vld [tilespmem:s2+$0x400];
	[tilespmem:s25+$0xFFFFFC50] =	vst v55  }
0x6b: {  	v61 =	vld [tilespmem:s2+$0xFFFFFFC0];
	[tilespmem:s25+$0xFFFFFC60] =	vst v56  }
0x6c: {  	s9 =	sand.u32 $0x80, s10;
	s0 =	sadd.s32 s0, s26;
	v62 =	vld [tilespmem:s2+$0x410];
	[tilespmem:s25+$0x0] =	vst v57  }
0x6d: {  	v63 =	vld [tilespmem:s2+$0x420];
	s30 =	sadd.s32 $0x1, s30;
	s0 =	sadd.s32 s9, s0;
	[tilespmem:s25+$0x10] =	vst v58  }
0x6e: {  	p1 =	sne.s32 s30, $0x8;
	v0 =	vld.idx.msk [tilespmem:v0+s0+$0x400 ss:$0x1], $0xffff;
	[tilespmem:s25+$0x20] =	vst v59  }
.Ltmp4:
0x6f: {  	[tilespmem:s25+$0x30] =	vst v60;
	(pc) =	sbr.rel @p1 .LBB1_3-.Ltmp4, $4  }
0x70: {  	[tilespmem:s25+$0xFFFFFBF0] =	vst v61  }
0x71: {  	[tilespmem:s25+$0x40] =	vst v62  }
0x72: {  	s31 =	sadd.s32 $0x800, s31;
	s24 =	sadd.s32 $0x800, s24;
	[tilespmem:s25+$0x50] =	vst v63  }
0x73: {  	s29 =	sadd.s32 $0x80, s29;
	p0 =	por !p0, !p0;
	s3 =	sadd.s32 $0x80, s3;
	[tilespmem:s31+$0x0] =	vst v0  }
0x74: {  	p0 =	sgt.s32 s13, $0xC3;
	s0 =	smov.u32 s13  }
0x75: {  	s2 =	sshra.s32 s13, $0x1F;
	s3 =	smov.u32 s12;
	s9 =	sshra.s32 s12, $0x1F  }
0x76: {  	s10 =	ssub.s32 $0x0, s14;
	s0 =	simm.s32 @!p0 $0xC3;
	s2 =	sand.u32 s2, s13  }
0x77: {  	p0 =	sgt.s32 s12, $0xC;
	s9 =	sand.u32 s9, s12;
	s10 =	smin.u32 s14, s10  }
0x78: {  	s0 =	ssub.s32 s0, s2;
	s3 =	simm.s32 @!p0 $0xC;
	s24 =	sshll.u32 s10, $0x8  }
0x79: {  	p1 =	sgt.s32 s10, $0x7;
	s2 =	sadd.s32 $0xFFFFFF3D, s0;
	s31 =	ssub.s32 s3, s9  }
0x7a: {  	s0 =	ssub.s32 $0xC4, s0;
	s3 =	ssub.s32 $0x800, s24;
	p0 =	sgt.s32 s2, $0x0  }
0x7b: {  	s9 =	sadd.s32 $0xFFFFFFF4, s31;
	s3 =	simm.s32 @p1 $0x0;
	s0 =	simm.s32 @p0 $0x0  }
0x7c: {  	s2 =	ssub.s32 $0x14, s31;
	p0 =	sgt.s32 s9, $0x7;
	s0 =	smul.u32 s0, s3  }
0x7d: {  	s25 =	smul.u32 $0x2800, s13;
	s26 =	sshll.u32 s14, $0x4;
	s2 =	simm.s32 @p0 $0x0  }
0x7e: {  	s27 =	sshll.u32 s12, $0x9;
	s29 =	rddreg [dreg:$0x1];
	s0 =	smul.u32 s2, s0  }
.Ltmp5:
0x7f: {  	s3 =	sadd.s32 s29, s25;
	s2 =	sand.u32 $0x70, s26;
	(pc) =	sbr.rel .LBB1_7-.Ltmp5, $4  }
0x80: {  	s30 =	simm.s32 $0x800;
	s3 =	sadd.s32 s27, s3;
	s2 =	sor.u32 s22, s2  }
0x81: {  	s31 =	simm.s32 $0x1000;
	s0 =	sand.u32 $0x3FFFFF00, s0;
	s2 =	sadd.s32 s2, s3  }
0x82: {  	[hbm4b:s2+s30] =	stream.strided.scatter [tilespmem:s23], [sflag:$0x2], s0, s31, s30, $0x38;
	[tilespmem:$0x10000] =	vst v63  }
0x83: {  	s23 =	stileid.u32  }
.LBB1_8:
0x84: {  	_ =	sfence.sel $0x180000  }
0x85: {  	s0 =	simm.s32 $0x1;
	[bflag:$0x0] =	sbarrier.arrive $0xFFFF  }
0x86: {  	s31 =	simm.s32 $0x2;
	[sflag:s0] =	ssyncpa.u1 $0x1  }
0x87: {  	[sflag:s31] =	ssyncpa.u1 $0x1  }
0x88: {  	_ =	strace $0x90000047  }
0x89: {  	[bflag:$0x2] =	sbarrier.arrive $0xFFFF  }
0x8a: {  	p0 =	sne.s32 s23, $0x0;
	s0 =	rddreg [dreg:$0x2]  }
0x8b: {  	s0 =	sadd.s32 @!p0 $0x100000, s0  }
0x8c: {  	[sflag:s0] =	ssyncadd.tile.s32 @!p0 $0x1;
	_ =	shalt  }
.Lfunc_end1:
_tile_overlayer_lowered:
.L_overlay_start_2:
0x8d: {  	(tag) =	ssettag $0x2  }
0x8e: {  	s0 =	rddreg [dreg:$0x0];
	s2 =	stileid.u32  }
0x8f: {  	s1 =	rddreg [dreg:$0x1];
	p0 =	sne.s32 s2, $0x0  }
0x90: {  	s3 =	rddreg [dreg:$0x2];
	[bflag:$0x3] =	sbarrier.arrive $0xFFFF;
	s2 =	simm.s32 @!p0 $0x1C01  }
0x91: {  	[timem:s3], [sflag:s2] =	dma.local @!p0 [hbm:s0], s1  }
0x92: {  	s0 =	simm.s32 @!p0 $0x1  }
0x93: {  	_ =	swait.ge @!p0 [sflag:s0], s1  }
0x94: {  	s1 =	ssub.s32 @!p0 $0x0, s1;
	[sflag:s0] =	ssyncset.done @!p0 $0x0  }
0x95: {  	[sflag:s0] =	ssyncadd.s32 @!p0 s1  }
0x96: {  	[bflag:$0x3] =	sbarrier.arrive $0xFFFF  }
0x97: {  	_ =	shalt  }

</sc_bundles>
